<compile_context>
chip_gen: v7x
topology: tpu7x:2x2x1
jax: 0.10.2.dev20260603
libtpu: 0.0.44.dev20260713+nightly
codegen_flags: <defaults>
</compile_context>

<pallas_src>
import functools

import jax
import jax.numpy as jnp
from jax import lax
from jax.experimental import pallas as pl
from jax.experimental.pallas import tpu as pltpu
from jax.experimental.pallas import tpu_sc as plsc

N = 100000
E = 6400000
CLAMP = 10.0

NSC = 2
NTILE = 16
NWORK = NSC * NTILE
NPAD = 100352
SLICE1 = NPAD // NTILE
SLICE2 = NPAD // NWORK
EPT = E // NWORK
W = 2000
NWIN = EPT // W

_mesh = plsc.VectorSubcoreMesh(core_axis_name="c", subcore_axis_name="s")


@functools.partial(
    pl.kernel,
    out_type=jax.ShapeDtypeStruct((NWORK * NPAD,), jnp.float32),
    mesh=_mesh,
    compiler_params=pltpu.CompilerParams(needs_layout_passes=False),
    scratch_types=[
        pltpu.VMEM((NPAD,), jnp.float32),
        [pltpu.VMEM((W,), jnp.int32)] * 2,
        [pltpu.VMEM((W,), jnp.int32)] * 2,
        [pltpu.VMEM((W,), jnp.float32)] * 2,
        [pltpu.VMEM((W,), jnp.float32)] * 2,
        pltpu.VMEM_SHARED((NPAD,), jnp.float32),
        [pltpu.SemaphoreType.DMA] * 2,
        [pltpu.SemaphoreType.DMA] * 2,
        pltpu.SemaphoreType.DMA,
    ],
)
def _scatter_phase(v_hbm, src_hbm, dst_hbm, w_hbm, out_hbm,
                   acc, srcb, dstb, wb, valb, vsh, lsem, gsem, psem):
    cid = lax.axis_index("c")
    sid = lax.axis_index("s")
    gwid = cid * NTILE + sid
    nbase = sid * SLICE1
    ebase = gwid * EPT

    def _issue_loads(g, b):
        off = ebase + g * W
        pltpu.async_copy(src_hbm.at[pl.ds(off, W)], srcb[b], lsem[b])
        pltpu.async_copy(dst_hbm.at[pl.ds(off, W)], dstb[b], lsem[b])
        pltpu.async_copy(w_hbm.at[pl.ds(off, W)], wb[b], lsem[b])

    def _wait_loads(b):
        pltpu.make_async_copy(src_hbm.at[pl.ds(0, W)], srcb[b], lsem[b]).wait()
        pltpu.make_async_copy(dst_hbm.at[pl.ds(0, W)], dstb[b], lsem[b]).wait()
        pltpu.make_async_copy(w_hbm.at[pl.ds(0, W)], wb[b], lsem[b]).wait()

    NG = 5
    WG = W // NG

    def _issue_gather(b):
        for q in range(NG):
            pltpu.async_copy(vsh.at[srcb[b].at[pl.ds(q * WG, WG)]],
                             valb[b].at[pl.ds(q * WG, WG)], gsem[b])

    def _wait_gather(b):
        for q in range(NG):
            pltpu.make_async_copy(vsh.at[srcb[b].at[pl.ds(q * WG, WG)]],
                                  valb[b].at[pl.ds(q * WG, WG)],
                                  gsem[b]).wait()

    def _zero(j, carry):
        acc[pl.ds(j * 16, 16)] = jnp.zeros((16,), jnp.float32)
        return carry
    lax.fori_loop(0, NPAD // 16, _zero, 0, unroll=8)

    pltpu.sync_copy(v_hbm.at[pl.ds(nbase, SLICE1)],
                    vsh.at[pl.ds(nbase, SLICE1)])
    _issue_loads(0, 0)
    _wait_loads(0)
    plsc.subcore_barrier()
    _issue_gather(0)
    _issue_loads(1, 1)

    def _compute(b):
        def body(j, carry):
            sl = pl.ds(j * 16, 16)
            x = valb[b][sl]
            m = jnp.minimum(jnp.maximum(x, 0.0), CLAMP) * wb[b][sl]
            plsc.addupdate_scatter(acc, [dstb[b][sl]], m)
            return carry
        lax.fori_loop(0, W // 16, body, 0, unroll=8)

    def _pair(m, carry):
        _wait_gather(0)
        _compute(0)
        _wait_loads(1)
        _issue_gather(1)

        @pl.when(m < NWIN // 2 - 1)
        def _():
            _issue_loads(2 * m + 2, 0)

        _wait_gather(1)
        _compute(1)

        @pl.when(m < NWIN // 2 - 1)
        def _():
            _wait_loads(0)
            _issue_gather(0)
            _issue_loads(2 * m + 3, 1)
        return carry

    lax.fori_loop(0, NWIN // 2, _pair, 0)

    pltpu.async_copy(acc, out_hbm.at[pl.ds(gwid * NPAD, NPAD)], psem)
    pltpu.make_async_copy(acc, out_hbm.at[pl.ds(gwid * NPAD, NPAD)],
                          psem).wait()


_ROWS = NPAD // 128


def _combine_body(p_ref, v_ref, tau_ref, stim_ref, bias_ref, out_ref):
    agg = jnp.sum(p_ref[...], axis=0)
    vc = jnp.clip(v_ref[...], -CLAMP, CLAMP)
    out_ref[...] = (agg + stim_ref[...] + bias_ref[...] - vc) / tau_ref[...]


def _combine_phase(part, vp, taup, stimp, biasp):
    return pl.pallas_call(
        _combine_body,
        out_shape=jax.ShapeDtypeStruct((_ROWS, 128), jnp.float32),
    )(part.reshape(NWORK, _ROWS, 128), vp.reshape(_ROWS, 128),
      taup.reshape(_ROWS, 128), stimp.reshape(_ROWS, 128),
      biasp.reshape(_ROWS, 128))


def kernel(t, v, edge_index, w_edge, tau, stimulus, bias):
    pad = NPAD - N
    vp = jnp.pad(v, (0, pad))
    taup = jnp.pad(tau, (0, pad), constant_values=1.0)
    stimp = jnp.pad(stimulus, (0, pad))
    biasp = jnp.pad(bias, (0, pad))
    src = edge_index[0]
    dst = edge_index[1]
    partial = _scatter_phase(vp, src, dst, w_edge)
    dvp = _combine_phase(partial, vp, taup, stimp, biasp)
    return dvp.reshape(NPAD)[:N]

# --- scband reference (transcript-rebuilt; emitter-appended) ---
"""Pipeline reference for scband-gnnodefunc-fly-vis-34677565948817 (READ-ONLY COPY).

The authoritative reference and input builder live on the scoring server;
editing this copy changes nothing except your own understanding.
"""

import jax, jax.numpy as jnp
import numpy as np

N = 100000  # batch_size(2) * neurons_per_sample(50000)
E = 6400000  # N * avg_degree(64)
STATE_CLAMP = 10.0


def setup_inputs(seed: int = 0) -> dict:
    key = jax.random.key(seed)
    k1, k2, k3, k4, k5, k6 = jax.random.split(key, 6)
    t = jnp.zeros((1,), dtype=jnp.float32)
    v = jax.random.normal(k1, (N,), dtype=jnp.float32)
    # Fixed connectome: edge_index constant (closed over by the ODE func in torch __init__)
    edge_index = jax.random.randint(k2, (2, E), 0, N, dtype=jnp.int32)
    # Learned parameters of the wrapped GNN voltage-dynamics model (flyvis-style):
    # per-edge synaptic weight, per-neuron time constant, bias, and stimulus template.
    w_edge = (jax.random.normal(k3, (E,), dtype=jnp.float32) * 0.05)
    tau = jax.random.uniform(k4, (N,), dtype=jnp.float32, minval=0.5, maxval=2.0)
    stimulus = jax.random.normal(k5, (N,), dtype=jnp.float32)
    bias = jax.random.normal(k6, (N,), dtype=jnp.float32) * 0.1
    return {"t": t, "v": v, "edge_index": edge_index, "w_edge": w_edge,
            "tau": tau, "stimulus": stimulus, "bias": bias}


def reference(t, v, edge_index, w_edge, tau, stimulus, bias):
    """dv/dt = f(t, v): one GNN message-passing evaluation of voltage dynamics.

    Mirrors GNNODEFunc_FlyVis.forward: clone template state, set voltage=v,
    inject stimulus, run model(state, edge_index) -> dv. The wrapped model is a
    flyvis-style single-round message passing: per-edge gather of rectified
    presynaptic voltage, weighted scatter-add to postsynaptic neuron, leaky
    integration with per-neuron time constant.
    """
    vc = jnp.clip(v.reshape(-1), -STATE_CLAMP, STATE_CLAMP)
    src = edge_index[0]
    dst = edge_index[1]
    # gather presynaptic activity (rectified voltage)
    pre = jax.nn.relu(vc[src])
    msg = w_edge * pre
    # scatter-add messages onto postsynaptic neurons
    agg = jax.ops.segment_sum(msg, dst, num_segments=N)
    # leaky voltage dynamics
    dv = (-vc + agg + stimulus + bias) / tau
    return dv

if __name__ == "__main__":
    import jax
    _d = setup_inputs()
    print(jax.jit(kernel)(*tuple(_d.values())))

</pallas_src>

<mosaic_0001>
#map = affine_map<(d0, d1) -> (0)>
module attributes {stable_mosaic.version = 14 : i64} {
  func.func @_scatter_phase(%arg0: i32, %arg1: i32, %arg2: memref<100352xf32, #tpu.memory_space<hbm>>, %arg3: memref<6400000xi32, #tpu.memory_space<hbm>>, %arg4: memref<6400000xi32, #tpu.memory_space<hbm>>, %arg5: memref<6400000xf32, #tpu.memory_space<hbm>>, %arg6: memref<3211264xf32, #tpu.memory_space<hbm>>, %arg7: memref<100352xf32, #tpu.memory_space<vmem>>, %arg8: memref<2000xi32, #tpu.memory_space<vmem>>, %arg9: memref<2000xi32, #tpu.memory_space<vmem>>, %arg10: memref<2000xi32, #tpu.memory_space<vmem>>, %arg11: memref<2000xi32, #tpu.memory_space<vmem>>, %arg12: memref<2000xf32, #tpu.memory_space<vmem>>, %arg13: memref<2000xf32, #tpu.memory_space<vmem>>, %arg14: memref<2000xf32, #tpu.memory_space<vmem>>, %arg15: memref<2000xf32, #tpu.memory_space<vmem>>, %arg16: memref<100352xf32, #tpu.memory_space<vmem_shared>>, %arg17: memref<!tpu.dma_semaphore, #tpu.memory_space<semaphore_mem>>, %arg18: memref<!tpu.dma_semaphore, #tpu.memory_space<semaphore_mem>>, %arg19: memref<!tpu.dma_semaphore, #tpu.memory_space<semaphore_mem>>, %arg20: memref<!tpu.dma_semaphore, #tpu.memory_space<semaphore_mem>>, %arg21: memref<!tpu.dma_semaphore, #tpu.memory_space<semaphore_mem>>) attributes {dimension_semantics = [#tpu.dimension_semantics<core_parallel>, #tpu.dimension_semantics<subcore_parallel>], iteration_bounds = array<i64: 2, 16>, scalar_prefetch = 0 : i64, scratch_operands = 15 : i64, tpu.core_type = #tpu.core_type<sc_vector_subcore>, window_params = [{transform_indices = #map}, {transform_indices = #map}, {transform_indices = #map}, {transform_indices = #map}, {transform_indices = #map}]} {
    %mul3A = arith.constant 16 : i32
    %mul3A_0 = arith.muli %arg0, %mul3A : i32
    %add3A = arith.addi %mul3A_0, %arg1 : i32
    %mul3A_1 = arith.constant 6272 : i32
    %mul3A_2 = arith.muli %arg1, %mul3A_1 : i32
    %mul3A_3 = arith.constant 200000 : i32
    %mul3A_4 = arith.muli %add3A, %mul3A_3 : i32
    %scan3A = arith.constant 0 : i32
    %scan3A_5 = arith.constant 0 : i32
    %scan3A_6 = arith.constant 6272 : i32
    %scan3A_7 = arith.addi %scan3A_5, %scan3A_6 : i32
    %scan3A_8 = arith.constant 8 : i32
    scf.for %scan3A_80 = %scan3A_5 to %scan3A_7 step %scan3A_8  : i32 {
      %broadcast_in_dim3A = arith.constant 0.000000e+00 : f32
      %broadcast_in_dim3A_81 = vector.broadcast %broadcast_in_dim3A : f32 to vector<16xf32>
      %mul3A_82 = arith.constant 16 : i32
      %mul3A_83 = arith.muli %scan3A_80, %mul3A_82 : i32
      %swap3A = arith.index_cast %mul3A_83 : i32 to index
      %swap3A_84 = tpu.vector_load %arg7[%swap3A] {strides = array<i32>} : memref<100352xf32, #tpu.memory_space<vmem>>, vector<16xf32>,
      tpu.vector_store %arg7[%swap3A], %broadcast_in_dim3A_81 {strides = array<i32>} : memref<100352xf32, #tpu.memory_space<vmem>>, vector<16xf32>,
      %scan3A_85 = arith.constant 1 : i32
      %scan3A_86 = arith.addi %scan3A_80, %scan3A_85 : i32
      %broadcast_in_dim3A_87 = arith.constant 0.000000e+00 : f32
      %broadcast_in_dim3A_88 = vector.broadcast %broadcast_in_dim3A_87 : f32 to vector<16xf32>
      %mul3A_89 = arith.constant 16 : i32
      %mul3A_90 = arith.muli %scan3A_86, %mul3A_89 : i32
      %swap3A_91 = arith.index_cast %mul3A_90 : i32 to index
      %swap3A_92 = tpu.vector_load %arg7[%swap3A_91] {strides = array<i32>} : memref<100352xf32, #tpu.memory_space<vmem>>, vector<16xf32>,
      tpu.vector_store %arg7[%swap3A_91], %broadcast_in_dim3A_88 {strides = array<i32>} : memref<100352xf32, #tpu.memory_space<vmem>>, vector<16xf32>,
      %scan3A_93 = arith.constant 2 : i32
      %scan3A_94 = arith.addi %scan3A_80, %scan3A_93 : i32
      %broadcast_in_dim3A_95 = arith.constant 0.000000e+00 : f32
      %broadcast_in_dim3A_96 = vector.broadcast %broadcast_in_dim3A_95 : f32 to vector<16xf32>
      %mul3A_97 = arith.constant 16 : i32
      %mul3A_98 = arith.muli %scan3A_94, %mul3A_97 : i32
      %swap3A_99 = arith.index_cast %mul3A_98 : i32 to index
      %swap3A_100 = tpu.vector_load %arg7[%swap3A_99] {strides = array<i32>} : memref<100352xf32, #tpu.memory_space<vmem>>, vector<16xf32>,
      tpu.vector_store %arg7[%swap3A_99], %broadcast_in_dim3A_96 {strides = array<i32>} : memref<100352xf32, #tpu.memory_space<vmem>>, vector<16xf32>,
      %scan3A_101 = arith.constant 3 : i32
      %scan3A_102 = arith.addi %scan3A_80, %scan3A_101 : i32
      %broadcast_in_dim3A_103 = arith.constant 0.000000e+00 : f32
      %broadcast_in_dim3A_104 = vector.broadcast %broadcast_in_dim3A_103 : f32 to vector<16xf32>
      %mul3A_105 = arith.constant 16 : i32
      %mul3A_106 = arith.muli %scan3A_102, %mul3A_105 : i32
      %swap3A_107 = arith.index_cast %mul3A_106 : i32 to index
      %swap3A_108 = tpu.vector_load %arg7[%swap3A_107] {strides = array<i32>} : memref<100352xf32, #tpu.memory_space<vmem>>, vector<16xf32>,
      tpu.vector_store %arg7[%swap3A_107], %broadcast_in_dim3A_104 {strides = array<i32>} : memref<100352xf32, #tpu.memory_space<vmem>>, vector<16xf32>,
      %scan3A_109 = arith.constant 4 : i32
      %scan3A_110 = arith.addi %scan3A_80, %scan3A_109 : i32
      %broadcast_in_dim3A_111 = arith.constant 0.000000e+00 : f32
      %broadcast_in_dim3A_112 = vector.broadcast %broadcast_in_dim3A_111 : f32 to vector<16xf32>
      %mul3A_113 = arith.constant 16 : i32
      %mul3A_114 = arith.muli %scan3A_110, %mul3A_113 : i32
      %swap3A_115 = arith.index_cast %mul3A_114 : i32 to index
      %swap3A_116 = tpu.vector_load %arg7[%swap3A_115] {strides = array<i32>} : memref<100352xf32, #tpu.memory_space<vmem>>, vector<16xf32>,
      tpu.vector_store %arg7[%swap3A_115], %broadcast_in_dim3A_112 {strides = array<i32>} : memref<100352xf32, #tpu.memory_space<vmem>>, vector<16xf32>,
      %scan3A_117 = arith.constant 5 : i32
      %scan3A_118 = arith.addi %scan3A_80, %scan3A_117 : i32
      %broadcast_in_dim3A_119 = arith.constant 0.000000e+00 : f32
      %broadcast_in_dim3A_120 = vector.broadcast %broadcast_in_dim3A_119 : f32 to vector<16xf32>
      %mul3A_121 = arith.constant 16 : i32
      %mul3A_122 = arith.muli %scan3A_118, %mul3A_121 : i32
      %swap3A_123 = arith.index_cast %mul3A_122 : i32 to index
      %swap3A_124 = tpu.vector_load %arg7[%swap3A_123] {strides = array<i32>} : memref<100352xf32, #tpu.memory_space<vmem>>, vector<16xf32>,
      tpu.vector_store %arg7[%swap3A_123], %broadcast_in_dim3A_120 {strides = array<i32>} : memref<100352xf32, #tpu.memory_space<vmem>>, vector<16xf32>,
      %scan3A_125 = arith.constant 6 : i32
      %scan3A_126 = arith.addi %scan3A_80, %scan3A_125 : i32
      %broadcast_in_dim3A_127 = arith.constant 0.000000e+00 : f32
      %broadcast_in_dim3A_128 = vector.broadcast %broadcast_in_dim3A_127 : f32 to vector<16xf32>
      %mul3A_129 = arith.constant 16 : i32
      %mul3A_130 = arith.muli %scan3A_126, %mul3A_129 : i32
      %swap3A_131 = arith.index_cast %mul3A_130 : i32 to index
      %swap3A_132 = tpu.vector_load %arg7[%swap3A_131] {strides = array<i32>} : memref<100352xf32, #tpu.memory_space<vmem>>, vector<16xf32>,
      tpu.vector_store %arg7[%swap3A_131], %broadcast_in_dim3A_128 {strides = array<i32>} : memref<100352xf32, #tpu.memory_space<vmem>>, vector<16xf32>,
      %scan3A_133 = arith.constant 7 : i32
      %scan3A_134 = arith.addi %scan3A_80, %scan3A_133 : i32
      %broadcast_in_dim3A_135 = arith.constant 0.000000e+00 : f32
      %broadcast_in_dim3A_136 = vector.broadcast %broadcast_in_dim3A_135 : f32 to vector<16xf32>
      %mul3A_137 = arith.constant 16 : i32
      %mul3A_138 = arith.muli %scan3A_134, %mul3A_137 : i32
      %swap3A_139 = arith.index_cast %mul3A_138 : i32 to index
      %swap3A_140 = tpu.vector_load %arg7[%swap3A_139] {strides = array<i32>} : memref<100352xf32, #tpu.memory_space<vmem>>, vector<16xf32>,
      tpu.vector_store %arg7[%swap3A_139], %broadcast_in_dim3A_136 {strides = array<i32>} : memref<100352xf32, #tpu.memory_space<vmem>>, vector<16xf32>,
    }
    %scan3A_9 = arith.constant 6272 : i32
    "tpu.region"() ({
      %run_scoped3A = tpu.sem_alloc : memref<!tpu.dma_semaphore, #tpu.memory_space<semaphore_mem>>
      %dma_start3A_80 = tpu.memref_slice %arg16[%mul3A_2] : memref<100352xf32, #tpu.memory_space<vmem_shared>> -> memref<6272xf32, #tpu.memory_space<vmem_shared>>
      %dma_start3A_81 = tpu.memref_slice %arg2[%mul3A_2] : memref<100352xf32, #tpu.memory_space<hbm>> -> memref<6272xf32, #tpu.memory_space<hbm>>
      tpu.enqueue_dma source(%dma_start3A_81 : memref<6272xf32, #tpu.memory_space<hbm>>) target(%dma_start3A_80 : memref<6272xf32, #tpu.memory_space<vmem_shared>>) target_semaphore(%run_scoped3A : memref<!tpu.dma_semaphore, #tpu.memory_space<semaphore_mem>>)
      %dma_wait3A_82 = tpu.memref_slice %arg16[%mul3A_2] : memref<100352xf32, #tpu.memory_space<vmem_shared>> -> memref<6272xf32, #tpu.memory_space<vmem_shared>>
      %dma_wait3A_83 = tpu.memref_slice %arg2[%mul3A_2] : memref<100352xf32, #tpu.memory_space<hbm>> -> memref<6272xf32, #tpu.memory_space<hbm>>
      tpu.wait_dma2 semaphore(%run_scoped3A : memref<!tpu.dma_semaphore, #tpu.memory_space<semaphore_mem>>) src(%dma_wait3A_83 : memref<6272xf32, #tpu.memory_space<hbm>>) dst(%dma_wait3A_82 : memref<6272xf32, #tpu.memory_space<vmem_shared>>)
      tpu.yield
    }) : () -> ()
    %add3A_10 = arith.constant 0 : i32
    %add3A_11 = arith.addi %mul3A_4, %add3A_10 : i32
    %dma_start3A = tpu.memref_slice %arg3[%add3A_11] : memref<6400000xi32, #tpu.memory_space<hbm>> -> memref<2000xi32, #tpu.memory_space<hbm>>
    %dma_start3A_12 = tpu.memref_slice %arg3[%add3A_11] : memref<6400000xi32, #tpu.memory_space<hbm>> -> memref<2000xi32, #tpu.memory_space<hbm>>
    tpu.enqueue_dma source(%dma_start3A_12 : memref<2000xi32, #tpu.memory_space<hbm>>) target(%arg8 : memref<2000xi32, #tpu.memory_space<vmem>>) target_semaphore(%arg17 : memref<!tpu.dma_semaphore, #tpu.memory_space<semaphore_mem>>)
    %dma_start3A_13 = tpu.memref_slice %arg4[%add3A_11] : memref<6400000xi32, #tpu.memory_space<hbm>> -> memref<2000xi32, #tpu.memory_space<hbm>>
    %dma_start3A_14 = tpu.memref_slice %arg4[%add3A_11] : memref<6400000xi32, #tpu.memory_space<hbm>> -> memref<2000xi32, #tpu.memory_space<hbm>>
    tpu.enqueue_dma source(%dma_start3A_14 : memref<2000xi32, #tpu.memory_space<hbm>>) target(%arg10 : memref<2000xi32, #tpu.memory_space<vmem>>) target_semaphore(%arg17 : memref<!tpu.dma_semaphore, #tpu.memory_space<semaphore_mem>>)
    %dma_start3A_15 = tpu.memref_slice %arg5[%add3A_11] : memref<6400000xf32, #tpu.memory_space<hbm>> -> memref<2000xf32, #tpu.memory_space<hbm>>
    %dma_start3A_16 = tpu.memref_slice %arg5[%add3A_11] : memref<6400000xf32, #tpu.memory_space<hbm>> -> memref<2000xf32, #tpu.memory_space<hbm>>
    tpu.enqueue_dma source(%dma_start3A_16 : memref<2000xf32, #tpu.memory_space<hbm>>) target(%arg12 : memref<2000xf32, #tpu.memory_space<vmem>>) target_semaphore(%arg17 : memref<!tpu.dma_semaphore, #tpu.memory_space<semaphore_mem>>)
    %dma_wait3A = arith.constant 0 : i32
    %dma_wait3A_17 = tpu.memref_slice %arg3[%dma_wait3A] : memref<6400000xi32, #tpu.memory_space<hbm>> -> memref<2000xi32, #tpu.memory_space<hbm>>
    %dma_wait3A_18 = arith.constant 0 : i32
    %dma_wait3A_19 = tpu.memref_slice %arg3[%dma_wait3A_18] : memref<6400000xi32, #tpu.memory_space<hbm>> -> memref<2000xi32, #tpu.memory_space<hbm>>
    tpu.wait_dma2 semaphore(%arg17 : memref<!tpu.dma_semaphore, #tpu.memory_space<semaphore_mem>>) src(%dma_wait3A_19 : memref<2000xi32, #tpu.memory_space<hbm>>) dst(%arg8 : memref<2000xi32, #tpu.memory_space<vmem>>)
    %dma_wait3A_20 = arith.constant 0 : i32
    %dma_wait3A_21 = tpu.memref_slice %arg4[%dma_wait3A_20] : memref<6400000xi32, #tpu.memory_space<hbm>> -> memref<2000xi32, #tpu.memory_space<hbm>>
    %dma_wait3A_22 = arith.constant 0 : i32
    %dma_wait3A_23 = tpu.memref_slice %arg4[%dma_wait3A_22] : memref<6400000xi32, #tpu.memory_space<hbm>> -> memref<2000xi32, #tpu.memory_space<hbm>>
    tpu.wait_dma2 semaphore(%arg17 : memref<!tpu.dma_semaphore, #tpu.memory_space<semaphore_mem>>) src(%dma_wait3A_23 : memref<2000xi32, #tpu.memory_space<hbm>>) dst(%arg10 : memref<2000xi32, #tpu.memory_space<vmem>>)
    %dma_wait3A_24 = arith.constant 0 : i32
    %dma_wait3A_25 = tpu.memref_slice %arg5[%dma_wait3A_24] : memref<6400000xf32, #tpu.memory_space<hbm>> -> memref<2000xf32, #tpu.memory_space<hbm>>
    %dma_wait3A_26 = arith.constant 0 : i32
    %dma_wait3A_27 = tpu.memref_slice %arg5[%dma_wait3A_26] : memref<6400000xf32, #tpu.memory_space<hbm>> -> memref<2000xf32, #tpu.memory_space<hbm>>
    tpu.wait_dma2 semaphore(%arg17 : memref<!tpu.dma_semaphore, #tpu.memory_space<semaphore_mem>>) src(%dma_wait3A_27 : memref<2000xf32, #tpu.memory_space<hbm>>) dst(%arg12 : memref<2000xf32, #tpu.memory_space<vmem>>)
    %barrier3A = arith.constant 0 : index
    tpu.barrier barrier_id(%barrier3A)
    %dma_start3A_28 = arith.constant 0 : i32
    %dma_start3A_29 = tpu.memref_slice %arg14[%dma_start3A_28] : memref<2000xf32, #tpu.memory_space<vmem>> -> memref<400xf32, #tpu.memory_space<vmem>>
    %dma_start3A_30 = arith.constant 0 : i32
    %dma_start3A_31 = tpu.memref_slice %arg8[%dma_start3A_30] : memref<2000xi32, #tpu.memory_space<vmem>> -> memref<400xi32, #tpu.memory_space<vmem>>
    %dma_start3A_32 = arith.constant 0 : i32
    %dma_start3A_33 = tpu.memref_slice %arg16[%dma_start3A_32] : memref<100352xf32, #tpu.memory_space<vmem_shared>> -> memref<100352xf32, #tpu.memory_space<vmem_shared>>
    tpu.enqueue_indirect_dma source(%dma_start3A_33 : memref<100352xf32, #tpu.memory_space<vmem_shared>>) target(%dma_start3A_29 : memref<400xf32, #tpu.memory_space<vmem>>) offsets(%dma_start3A_31 : memref<400xi32, #tpu.memory_space<vmem>>) semaphore(%arg19 : memref<!tpu.dma_semaphore, #tpu.memory_space<semaphore_mem>>)
    %dma_start3A_34 = arith.constant 400 : i32
    %dma_start3A_35 = tpu.memref_slice %arg14[%dma_start3A_34] : memref<2000xf32, #tpu.memory_space<vmem>> -> memref<400xf32, #tpu.memory_space<vmem>>
    %dma_start3A_36 = arith.constant 400 : i32
    %dma_start3A_37 = tpu.memref_slice %arg8[%dma_start3A_36] : memref<2000xi32, #tpu.memory_space<vmem>> -> memref<400xi32, #tpu.memory_space<vmem>>
    %dma_start3A_38 = arith.constant 0 : i32
    %dma_start3A_39 = tpu.memref_slice %arg16[%dma_start3A_38] : memref<100352xf32, #tpu.memory_space<vmem_shared>> -> memref<100352xf32, #tpu.memory_space<vmem_shared>>
    tpu.enqueue_indirect_dma source(%dma_start3A_39 : memref<100352xf32, #tpu.memory_space<vmem_shared>>) target(%dma_start3A_35 : memref<400xf32, #tpu.memory_space<vmem>>) offsets(%dma_start3A_37 : memref<400xi32, #tpu.memory_space<vmem>>) semaphore(%arg19 : memref<!tpu.dma_semaphore, #tpu.memory_space<semaphore_mem>>)
    %dma_start3A_40 = arith.constant 800 : i32
    %dma_start3A_41 = tpu.memref_slice %arg14[%dma_start3A_40] : memref<2000xf32, #tpu.memory_space<vmem>> -> memref<400xf32, #tpu.memory_space<vmem>>
    %dma_start3A_42 = arith.constant 800 : i32
    %dma_start3A_43 = tpu.memref_slice %arg8[%dma_start3A_42] : memref<2000xi32, #tpu.memory_space<vmem>> -> memref<400xi32, #tpu.memory_space<vmem>>
    %dma_start3A_44 = arith.constant 0 : i32
    %dma_start3A_45 = tpu.memref_slice %arg16[%dma_start3A_44] : memref<100352xf32, #tpu.memory_space<vmem_shared>> -> memref<100352xf32, #tpu.memory_space<vmem_shared>>
    tpu.enqueue_indirect_dma source(%dma_start3A_45 : memref<100352xf32, #tpu.memory_space<vmem_shared>>) target(%dma_start3A_41 : memref<400xf32, #tpu.memory_space<vmem>>) offsets(%dma_start3A_43 : memref<400xi32, #tpu.memory_space<vmem>>) semaphore(%arg19 : memref<!tpu.dma_semaphore, #tpu.memory_space<semaphore_mem>>)
    %dma_start3A_46 = arith.constant 1200 : i32
    %dma_start3A_47 = tpu.memref_slice %arg14[%dma_start3A_46] : memref<2000xf32, #tpu.memory_space<vmem>> -> memref<400xf32, #tpu.memory_space<vmem>>
    %dma_start3A_48 = arith.constant 1200 : i32
    %dma_start3A_49 = tpu.memref_slice %arg8[%dma_start3A_48] : memref<2000xi32, #tpu.memory_space<vmem>> -> memref<400xi32, #tpu.memory_space<vmem>>
    %dma_start3A_50 = arith.constant 0 : i32
    %dma_start3A_51 = tpu.memref_slice %arg16[%dma_start3A_50] : memref<100352xf32, #tpu.memory_space<vmem_shared>> -> memref<100352xf32, #tpu.memory_space<vmem_shared>>
    tpu.enqueue_indirect_dma source(%dma_start3A_51 : memref<100352xf32, #tpu.memory_space<vmem_shared>>) target(%dma_start3A_47 : memref<400xf32, #tpu.memory_space<vmem>>) offsets(%dma_start3A_49 : memref<400xi32, #tpu.memory_space<vmem>>) semaphore(%arg19 : memref<!tpu.dma_semaphore, #tpu.memory_space<semaphore_mem>>)
    %dma_start3A_52 = arith.constant 1600 : i32
    %dma_start3A_53 = tpu.memref_slice %arg14[%dma_start3A_52] : memref<2000xf32, #tpu.memory_space<vmem>> -> memref<400xf32, #tpu.memory_space<vmem>>
    %dma_start3A_54 = arith.constant 1600 : i32
    %dma_start3A_55 = tpu.memref_slice %arg8[%dma_start3A_54] : memref<2000xi32, #tpu.memory_space<vmem>> -> memref<400xi32, #tpu.memory_space<vmem>>
    %dma_start3A_56 = arith.constant 0 : i32
    %dma_start3A_57 = tpu.memref_slice %arg16[%dma_start3A_56] : memref<100352xf32, #tpu.memory_space<vmem_shared>> -> memref<100352xf32, #tpu.memory_space<vmem_shared>>
    tpu.enqueue_indirect_dma source(%dma_start3A_57 : memref<100352xf32, #tpu.memory_space<vmem_shared>>) target(%dma_start3A_53 : memref<400xf32, #tpu.memory_space<vmem>>) offsets(%dma_start3A_55 : memref<400xi32, #tpu.memory_space<vmem>>) semaphore(%arg19 : memref<!tpu.dma_semaphore, #tpu.memory_space<semaphore_mem>>)
    %add3A_58 = arith.constant 2000 : i32
    %add3A_59 = arith.addi %mul3A_4, %add3A_58 : i32
    %dma_start3A_60 = tpu.memref_slice %arg3[%add3A_59] : memref<6400000xi32, #tpu.memory_space<hbm>> -> memref<2000xi32, #tpu.memory_space<hbm>>
    %dma_start3A_61 = tpu.memref_slice %arg3[%add3A_59] : memref<6400000xi32, #tpu.memory_space<hbm>> -> memref<2000xi32, #tpu.memory_space<hbm>>
    tpu.enqueue_dma source(%dma_start3A_61 : memref<2000xi32, #tpu.memory_space<hbm>>) target(%arg9 : memref<2000xi32, #tpu.memory_space<vmem>>) target_semaphore(%arg18 : memref<!tpu.dma_semaphore, #tpu.memory_space<semaphore_mem>>)
    %dma_start3A_62 = tpu.memref_slice %arg4[%add3A_59] : memref<6400000xi32, #tpu.memory_space<hbm>> -> memref<2000xi32, #tpu.memory_space<hbm>>
    %dma_start3A_63 = tpu.memref_slice %arg4[%add3A_59] : memref<6400000xi32, #tpu.memory_space<hbm>> -> memref<2000xi32, #tpu.memory_space<hbm>>
    tpu.enqueue_dma source(%dma_start3A_63 : memref<2000xi32, #tpu.memory_space<hbm>>) target(%arg11 : memref<2000xi32, #tpu.memory_space<vmem>>) target_semaphore(%arg18 : memref<!tpu.dma_semaphore, #tpu.memory_space<semaphore_mem>>)
    %dma_start3A_64 = tpu.memref_slice %arg5[%add3A_59] : memref<6400000xf32, #tpu.memory_space<hbm>> -> memref<2000xf32, #tpu.memory_space<hbm>>
    %dma_start3A_65 = tpu.memref_slice %arg5[%add3A_59] : memref<6400000xf32, #tpu.memory_space<hbm>> -> memref<2000xf32, #tpu.memory_space<hbm>>
    tpu.enqueue_dma source(%dma_start3A_65 : memref<2000xf32, #tpu.memory_space<hbm>>) target(%arg13 : memref<2000xf32, #tpu.memory_space<vmem>>) target_semaphore(%arg18 : memref<!tpu.dma_semaphore, #tpu.memory_space<semaphore_mem>>)
    %scan3A_66 = arith.constant 0 : i32
    %scan3A_67 = arith.constant 0 : i32
    %scan3A_68 = arith.constant 50 : i32
    %scan3A_69 = arith.addi %scan3A_67, %scan3A_68 : i32
    %scan3A_70 = arith.constant 1 : i32
    scf.for %scan3A_80 = %scan3A_67 to %scan3A_69 step %scan3A_70  : i32 {
      %dma_wait3A_81 = arith.constant 0 : i32
      %dma_wait3A_82 = tpu.memref_slice %arg14[%dma_wait3A_81] : memref<2000xf32, #tpu.memory_space<vmem>> -> memref<400xf32, #tpu.memory_space<vmem>>
      %dma_wait3A_83 = arith.constant 0 : i32
      %dma_wait3A_84 = tpu.memref_slice %arg8[%dma_wait3A_83] : memref<2000xi32, #tpu.memory_space<vmem>> -> memref<400xi32, #tpu.memory_space<vmem>>
      %dma_wait3A_85 = arith.constant 0 : i32
      %dma_wait3A_86 = tpu.memref_slice %arg16[%dma_wait3A_85] : memref<100352xf32, #tpu.memory_space<vmem_shared>> -> memref<100352xf32, #tpu.memory_space<vmem_shared>>
      tpu.wait_indirect_dma semaphore(%arg19 : memref<!tpu.dma_semaphore, #tpu.memory_space<semaphore_mem>>) src(%dma_wait3A_86 : memref<100352xf32, #tpu.memory_space<vmem_shared>>) dst(%dma_wait3A_82 : memref<400xf32, #tpu.memory_space<vmem>>)
      %dma_wait3A_87 = arith.constant 400 : i32
      %dma_wait3A_88 = tpu.memref_slice %arg14[%dma_wait3A_87] : memref<2000xf32, #tpu.memory_space<vmem>> -> memref<400xf32, #tpu.memory_space<vmem>>
      %dma_wait3A_89 = arith.constant 400 : i32
      %dma_wait3A_90 = tpu.memref_slice %arg8[%dma_wait3A_89] : memref<2000xi32, #tpu.memory_space<vmem>> -> memref<400xi32, #tpu.memory_space<vmem>>
      %dma_wait3A_91 = arith.constant 0 : i32
      %dma_wait3A_92 = tpu.memref_slice %arg16[%dma_wait3A_91] : memref<100352xf32, #tpu.memory_space<vmem_shared>> -> memref<100352xf32, #tpu.memory_space<vmem_shared>>
      tpu.wait_indirect_dma semaphore(%arg19 : memref<!tpu.dma_semaphore, #tpu.memory_space<semaphore_mem>>) src(%dma_wait3A_92 : memref<100352xf32, #tpu.memory_space<vmem_shared>>) dst(%dma_wait3A_88 : memref<400xf32, #tpu.memory_space<vmem>>)
      %dma_wait3A_93 = arith.constant 800 : i32
      %dma_wait3A_94 = tpu.memref_slice %arg14[%dma_wait3A_93] : memref<2000xf32, #tpu.memory_space<vmem>> -> memref<400xf32, #tpu.memory_space<vmem>>
      %dma_wait3A_95 = arith.constant 800 : i32
      %dma_wait3A_96 = tpu.memref_slice %arg8[%dma_wait3A_95] : memref<2000xi32, #tpu.memory_space<vmem>> -> memref<400xi32, #tpu.memory_space<vmem>>
      %dma_wait3A_97 = arith.constant 0 : i32
      %dma_wait3A_98 = tpu.memref_slice %arg16[%dma_wait3A_97] : memref<100352xf32, #tpu.memory_space<vmem_shared>> -> memref<100352xf32, #tpu.memory_space<vmem_shared>>
      tpu.wait_indirect_dma semaphore(%arg19 : memref<!tpu.dma_semaphore, #tpu.memory_space<semaphore_mem>>) src(%dma_wait3A_98 : memref<100352xf32, #tpu.memory_space<vmem_shared>>) dst(%dma_wait3A_94 : memref<400xf32, #tpu.memory_space<vmem>>)
      %dma_wait3A_99 = arith.constant 1200 : i32
      %dma_wait3A_100 = tpu.memref_slice %arg14[%dma_wait3A_99] : memref<2000xf32, #tpu.memory_space<vmem>> -> memref<400xf32, #tpu.memory_space<vmem>>
      %dma_wait3A_101 = arith.constant 1200 : i32
      %dma_wait3A_102 = tpu.memref_slice %arg8[%dma_wait3A_101] : memref<2000xi32, #tpu.memory_space<vmem>> -> memref<400xi32, #tpu.memory_space<vmem>>
      %dma_wait3A_103 = arith.constant 0 : i32
      %dma_wait3A_104 = tpu.memref_slice %arg16[%dma_wait3A_103] : memref<100352xf32, #tpu.memory_space<vmem_shared>> -> memref<100352xf32, #tpu.memory_space<vmem_shared>>
      tpu.wait_indirect_dma semaphore(%arg19 : memref<!tpu.dma_semaphore, #tpu.memory_space<semaphore_mem>>) src(%dma_wait3A_104 : memref<100352xf32, #tpu.memory_space<vmem_shared>>) dst(%dma_wait3A_100 : memref<400xf32, #tpu.memory_space<vmem>>)
      %dma_wait3A_105 = arith.constant 1600 : i32
      %dma_wait3A_106 = tpu.memref_slice %arg14[%dma_wait3A_105] : memref<2000xf32, #tpu.memory_space<vmem>> -> memref<400xf32, #tpu.memory_space<vmem>>
      %dma_wait3A_107 = arith.constant 1600 : i32
      %dma_wait3A_108 = tpu.memref_slice %arg8[%dma_wait3A_107] : memref<2000xi32, #tpu.memory_space<vmem>> -> memref<400xi32, #tpu.memory_space<vmem>>
      %dma_wait3A_109 = arith.constant 0 : i32
      %dma_wait3A_110 = tpu.memref_slice %arg16[%dma_wait3A_109] : memref<100352xf32, #tpu.memory_space<vmem_shared>> -> memref<100352xf32, #tpu.memory_space<vmem_shared>>
      tpu.wait_indirect_dma semaphore(%arg19 : memref<!tpu.dma_semaphore, #tpu.memory_space<semaphore_mem>>) src(%dma_wait3A_110 : memref<100352xf32, #tpu.memory_space<vmem_shared>>) dst(%dma_wait3A_106 : memref<400xf32, #tpu.memory_space<vmem>>)
      %scan3A_111 = arith.constant 0 : i32
      %scan3A_112 = arith.constant 0 : i32
      %scan3A_113 = arith.constant 120 : i32
      %scan3A_114 = arith.addi %scan3A_112, %scan3A_113 : i32
      %scan3A_115 = arith.constant 8 : i32
      scf.for %scan3A_369 = %scan3A_112 to %scan3A_114 step %scan3A_115  : i32 {
        %mul3A_370 = arith.constant 16 : i32
        %mul3A_371 = arith.muli %scan3A_369, %mul3A_370 : i32
        %get3A_372 = arith.index_cast %mul3A_371 : i32 to index
        %get3A_373 = tpu.vector_load %arg14[%get3A_372] {strides = array<i32>} : memref<2000xf32, #tpu.memory_space<vmem>>, vector<16xf32>,
        %max3A_374 = arith.constant 0.000000e+00 : f32
        %max3A_375 = vector.broadcast %max3A_374 : f32 to vector<16xf32>
        %max3A_376 = arith.maximumf %get3A_373, %max3A_375 : vector<16xf32>
        %min3A_377 = arith.constant 1.000000e+01 : f32
        %min3A_378 = vector.broadcast %min3A_377 : f32 to vector<16xf32>
        %min3A_379 = arith.minimumf %max3A_376, %min3A_378 : vector<16xf32>
        %get3A_380 = arith.index_cast %mul3A_371 : i32 to index
        %get3A_381 = tpu.vector_load %arg12[%get3A_380] {strides = array<i32>} : memref<2000xf32, #tpu.memory_space<vmem>>, vector<16xf32>,
        %mul3A_382 = arith.mulf %min3A_379, %get3A_381 : vector<16xf32>
        %get3A_383 = arith.index_cast %mul3A_371 : i32 to index
        %get3A_384 = tpu.vector_load %arg10[%get3A_383] {strides = array<i32>} : memref<2000xi32, #tpu.memory_space<vmem>>, vector<16xi32>,
        tpu.vector_store_idx %arg7[%get3A_384], %mul3A_382 {add = true} : memref<100352xf32, #tpu.memory_space<vmem>>[vector<16xi32>], vector<16xf32>,
        %scan3A_385 = arith.constant 1 : i32
        %scan3A_386 = arith.addi %scan3A_369, %scan3A_385 : i32
        %mul3A_387 = arith.constant 16 : i32
        %mul3A_388 = arith.muli %scan3A_386, %mul3A_387 : i32
        %get3A_389 = arith.index_cast %mul3A_388 : i32 to index
        %get3A_390 = tpu.vector_load %arg14[%get3A_389] {strides = array<i32>} : memref<2000xf32, #tpu.memory_space<vmem>>, vector<16xf32>,
        %max3A_391 = arith.constant 0.000000e+00 : f32
        %max3A_392 = vector.broadcast %max3A_391 : f32 to vector<16xf32>
        %max3A_393 = arith.maximumf %get3A_390, %max3A_392 : vector<16xf32>
        %min3A_394 = arith.constant 1.000000e+01 : f32
        %min3A_395 = vector.broadcast %min3A_394 : f32 to vector<16xf32>
        %min3A_396 = arith.minimumf %max3A_393, %min3A_395 : vector<16xf32>
        %get3A_397 = arith.index_cast %mul3A_388 : i32 to index
        %get3A_398 = tpu.vector_load %arg12[%get3A_397] {strides = array<i32>} : memref<2000xf32, #tpu.memory_space<vmem>>, vector<16xf32>,
        %mul3A_399 = arith.mulf %min3A_396, %get3A_398 : vector<16xf32>
        %get3A_400 = arith.index_cast %mul3A_388 : i32 to index
        %get3A_401 = tpu.vector_load %arg10[%get3A_400] {strides = array<i32>} : memref<2000xi32, #tpu.memory_space<vmem>>, vector<16xi32>,
        tpu.vector_store_idx %arg7[%get3A_401], %mul3A_399 {add = true} : memref<100352xf32, #tpu.memory_space<vmem>>[vector<16xi32>], vector<16xf32>,
        %scan3A_402 = arith.constant 2 : i32
        %scan3A_403 = arith.addi %scan3A_369, %scan3A_402 : i32
        %mul3A_404 = arith.constant 16 : i32
        %mul3A_405 = arith.muli %scan3A_403, %mul3A_404 : i32
        %get3A_406 = arith.index_cast %mul3A_405 : i32 to index
        %get3A_407 = tpu.vector_load %arg14[%get3A_406] {strides = array<i32>} : memref<2000xf32, #tpu.memory_space<vmem>>, vector<16xf32>,
        %max3A_408 = arith.constant 0.000000e+00 : f32
        %max3A_409 = vector.broadcast %max3A_408 : f32 to vector<16xf32>
        %max3A_410 = arith.maximumf %get3A_407, %max3A_409 : vector<16xf32>
        %min3A_411 = arith.constant 1.000000e+01 : f32
        %min3A_412 = vector.broadcast %min3A_411 : f32 to vector<16xf32>
        %min3A_413 = arith.minimumf %max3A_410, %min3A_412 : vector<16xf32>
        %get3A_414 = arith.index_cast %mul3A_405 : i32 to index
        %get3A_415 = tpu.vector_load %arg12[%get3A_414] {strides = array<i32>} : memref<2000xf32, #tpu.memory_space<vmem>>, vector<16xf32>,
        %mul3A_416 = arith.mulf %min3A_413, %get3A_415 : vector<16xf32>
        %get3A_417 = arith.index_cast %mul3A_405 : i32 to index
        %get3A_418 = tpu.vector_load %arg10[%get3A_417] {strides = array<i32>} : memref<2000xi32, #tpu.memory_space<vmem>>, vector<16xi32>,
        tpu.vector_store_idx %arg7[%get3A_418], %mul3A_416 {add = true} : memref<100352xf32, #tpu.memory_space<vmem>>[vector<16xi32>], vector<16xf32>,
        %scan3A_419 = arith.constant 3 : i32
        %scan3A_420 = arith.addi %scan3A_369, %scan3A_419 : i32
        %mul3A_421 = arith.constant 16 : i32
        %mul3A_422 = arith.muli %scan3A_420, %mul3A_421 : i32
        %get3A_423 = arith.index_cast %mul3A_422 : i32 to index
        %get3A_424 = tpu.vector_load %arg14[%get3A_423] {strides = array<i32>} : memref<2000xf32, #tpu.memory_space<vmem>>, vector<16xf32>,
        %max3A_425 = arith.constant 0.000000e+00 : f32
        %max3A_426 = vector.broadcast %max3A_425 : f32 to vector<16xf32>
        %max3A_427 = arith.maximumf %get3A_424, %max3A_426 : vector<16xf32>
        %min3A_428 = arith.constant 1.000000e+01 : f32
        %min3A_429 = vector.broadcast %min3A_428 : f32 to vector<16xf32>
        %min3A_430 = arith.minimumf %max3A_427, %min3A_429 : vector<16xf32>
        %get3A_431 = arith.index_cast %mul3A_422 : i32 to index
        %get3A_432 = tpu.vector_load %arg12[%get3A_431] {strides = array<i32>} : memref<2000xf32, #tpu.memory_space<vmem>>, vector<16xf32>,
        %mul3A_433 = arith.mulf %min3A_430, %get3A_432 : vector<16xf32>
        %get3A_434 = arith.index_cast %mul3A_422 : i32 to index
        %get3A_435 = tpu.vector_load %arg10[%get3A_434] {strides = array<i32>} : memref<2000xi32, #tpu.memory_space<vmem>>, vector<16xi32>,
        tpu.vector_store_idx %arg7[%get3A_435], %mul3A_433 {add = true} : memref<100352xf32, #tpu.memory_space<vmem>>[vector<16xi32>], vector<16xf32>,
        %scan3A_436 = arith.constant 4 : i32
        %scan3A_437 = arith.addi %scan3A_369, %scan3A_436 : i32
        %mul3A_438 = arith.constant 16 : i32
        %mul3A_439 = arith.muli %scan3A_437, %mul3A_438 : i32
        %get3A_440 = arith.index_cast %mul3A_439 : i32 to index
        %get3A_441 = tpu.vector_load %arg14[%get3A_440] {strides = array<i32>} : memref<2000xf32, #tpu.memory_space<vmem>>, vector<16xf32>,
        %max3A_442 = arith.constant 0.000000e+00 : f32
        %max3A_443 = vector.broadcast %max3A_442 : f32 to vector<16xf32>
        %max3A_444 = arith.maximumf %get3A_441, %max3A_443 : vector<16xf32>
        %min3A_445 = arith.constant 1.000000e+01 : f32
        %min3A_446 = vector.broadcast %min3A_445 : f32 to vector<16xf32>
        %min3A_447 = arith.minimumf %max3A_444, %min3A_446 : vector<16xf32>
        %get3A_448 = arith.index_cast %mul3A_439 : i32 to index
        %get3A_449 = tpu.vector_load %arg12[%get3A_448] {strides = array<i32>} : memref<2000xf32, #tpu.memory_space<vmem>>, vector<16xf32>,
        %mul3A_450 = arith.mulf %min3A_447, %get3A_449 : vector<16xf32>
        %get3A_451 = arith.index_cast %mul3A_439 : i32 to index
        %get3A_452 = tpu.vector_load %arg10[%get3A_451] {strides = array<i32>} : memref<2000xi32, #tpu.memory_space<vmem>>, vector<16xi32>,
        tpu.vector_store_idx %arg7[%get3A_452], %mul3A_450 {add = true} : memref<100352xf32, #tpu.memory_space<vmem>>[vector<16xi32>], vector<16xf32>,
        %scan3A_453 = arith.constant 5 : i32
        %scan3A_454 = arith.addi %scan3A_369, %scan3A_453 : i32
        %mul3A_455 = arith.constant 16 : i32
        %mul3A_456 = arith.muli %scan3A_454, %mul3A_455 : i32
        %get3A_457 = arith.index_cast %mul3A_456 : i32 to index
        %get3A_458 = tpu.vector_load %arg14[%get3A_457] {strides = array<i32>} : memref<2000xf32, #tpu.memory_space<vmem>>, vector<16xf32>,
        %max3A_459 = arith.constant 0.000000e+00 : f32
        %max3A_460 = vector.broadcast %max3A_459 : f32 to vector<16xf32>
        %max3A_461 = arith.maximumf %get3A_458, %max3A_460 : vector<16xf32>
        %min3A_462 = arith.constant 1.000000e+01 : f32
        %min3A_463 = vector.broadcast %min3A_462 : f32 to vector<16xf32>
        %min3A_464 = arith.minimumf %max3A_461, %min3A_463 : vector<16xf32>
        %get3A_465 = arith.index_cast %mul3A_456 : i32 to index
        %get3A_466 = tpu.vector_load %arg12[%get3A_465] {strides = array<i32>} : memref<2000xf32, #tpu.memory_space<vmem>>, vector<16xf32>,
        %mul3A_467 = arith.mulf %min3A_464, %get3A_466 : vector<16xf32>
        %get3A_468 = arith.index_cast %mul3A_456 : i32 to index
        %get3A_469 = tpu.vector_load %arg10[%get3A_468] {strides = array<i32>} : memref<2000xi32, #tpu.memory_space<vmem>>, vector<16xi32>,
        tpu.vector_store_idx %arg7[%get3A_469], %mul3A_467 {add = true} : memref<100352xf32, #tpu.memory_space<vmem>>[vector<16xi32>], vector<16xf32>,
        %scan3A_470 = arith.constant 6 : i32
        %scan3A_471 = arith.addi %scan3A_369, %scan3A_470 : i32
        %mul3A_472 = arith.constant 16 : i32
        %mul3A_473 = arith.muli %scan3A_471, %mul3A_472 : i32
        %get3A_474 = arith.index_cast %mul3A_473 : i32 to index
        %get3A_475 = tpu.vector_load %arg14[%get3A_474] {strides = array<i32>} : memref<2000xf32, #tpu.memory_space<vmem>>, vector<16xf32>,
        %max3A_476 = arith.constant 0.000000e+00 : f32
        %max3A_477 = vector.broadcast %max3A_476 : f32 to vector<16xf32>
        %max3A_478 = arith.maximumf %get3A_475, %max3A_477 : vector<16xf32>
        %min3A_479 = arith.constant 1.000000e+01 : f32
        %min3A_480 = vector.broadcast %min3A_479 : f32 to vector<16xf32>
        %min3A_481 = arith.minimumf %max3A_478, %min3A_480 : vector<16xf32>
        %get3A_482 = arith.index_cast %mul3A_473 : i32 to index
        %get3A_483 = tpu.vector_load %arg12[%get3A_482] {strides = array<i32>} : memref<2000xf32, #tpu.memory_space<vmem>>, vector<16xf32>,
        %mul3A_484 = arith.mulf %min3A_481, %get3A_483 : vector<16xf32>
        %get3A_485 = arith.index_cast %mul3A_473 : i32 to index
        %get3A_486 = tpu.vector_load %arg10[%get3A_485] {strides = array<i32>} : memref<2000xi32, #tpu.memory_space<vmem>>, vector<16xi32>,
        tpu.vector_store_idx %arg7[%get3A_486], %mul3A_484 {add = true} : memref<100352xf32, #tpu.memory_space<vmem>>[vector<16xi32>], vector<16xf32>,
        %scan3A_487 = arith.constant 7 : i32
        %scan3A_488 = arith.addi %scan3A_369, %scan3A_487 : i32
        %mul3A_489 = arith.constant 16 : i32
        %mul3A_490 = arith.muli %scan3A_488, %mul3A_489 : i32
        %get3A_491 = arith.index_cast %mul3A_490 : i32 to index
        %get3A_492 = tpu.vector_load %arg14[%get3A_491] {strides = array<i32>} : memref<2000xf32, #tpu.memory_space<vmem>>, vector<16xf32>,
        %max3A_493 = arith.constant 0.000000e+00 : f32
        %max3A_494 = vector.broadcast %max3A_493 : f32 to vector<16xf32>
        %max3A_495 = arith.maximumf %get3A_492, %max3A_494 : vector<16xf32>
        %min3A_496 = arith.constant 1.000000e+01 : f32
        %min3A_497 = vector.broadcast %min3A_496 : f32 to vector<16xf32>
        %min3A_498 = arith.minimumf %max3A_495, %min3A_497 : vector<16xf32>
        %get3A_499 = arith.index_cast %mul3A_490 : i32 to index
        %get3A_500 = tpu.vector_load %arg12[%get3A_499] {strides = array<i32>} : memref<2000xf32, #tpu.memory_space<vmem>>, vector<16xf32>,
        %mul3A_501 = arith.mulf %min3A_498, %get3A_500 : vector<16xf32>
        %get3A_502 = arith.index_cast %mul3A_490 : i32 to index
        %get3A_503 = tpu.vector_load %arg10[%get3A_502] {strides = array<i32>} : memref<2000xi32, #tpu.memory_space<vmem>>, vector<16xi32>,
        tpu.vector_store_idx %arg7[%get3A_503], %mul3A_501 {add = true} : memref<100352xf32, #tpu.memory_space<vmem>>[vector<16xi32>], vector<16xf32>,
      }
      %scan3A_116 = arith.constant 120 : i32
      %scan3A_117 = arith.addi %scan3A_112, %scan3A_116 : i32
      %mul3A_118 = arith.constant 16 : i32
      %mul3A_119 = arith.muli %scan3A_117, %mul3A_118 : i32
      %get3A = arith.index_cast %mul3A_119 : i32 to index
      %get3A_120 = tpu.vector_load %arg14[%get3A] {strides = array<i32>} : memref<2000xf32, #tpu.memory_space<vmem>>, vector<16xf32>,
      %max3A = arith.constant 0.000000e+00 : f32
      %max3A_121 = vector.broadcast %max3A : f32 to vector<16xf32>
      %max3A_122 = arith.maximumf %get3A_120, %max3A_121 : vector<16xf32>
      %min3A = arith.constant 1.000000e+01 : f32
      %min3A_123 = vector.broadcast %min3A : f32 to vector<16xf32>
      %min3A_124 = arith.minimumf %max3A_122, %min3A_123 : vector<16xf32>
      %get3A_125 = arith.index_cast %mul3A_119 : i32 to index
      %get3A_126 = tpu.vector_load %arg12[%get3A_125] {strides = array<i32>} : memref<2000xf32, #tpu.memory_space<vmem>>, vector<16xf32>,
      %mul3A_127 = arith.mulf %min3A_124, %get3A_126 : vector<16xf32>
      %get3A_128 = arith.index_cast %mul3A_119 : i32 to index
      %get3A_129 = tpu.vector_load %arg10[%get3A_128] {strides = array<i32>} : memref<2000xi32, #tpu.memory_space<vmem>>, vector<16xi32>,
      tpu.vector_store_idx %arg7[%get3A_129], %mul3A_127 {add = true} : memref<100352xf32, #tpu.memory_space<vmem>>[vector<16xi32>], vector<16xf32>,
      %scan3A_130 = arith.constant 121 : i32
      %scan3A_131 = arith.addi %scan3A_112, %scan3A_130 : i32
      %mul3A_132 = arith.constant 16 : i32
      %mul3A_133 = arith.muli %scan3A_131, %mul3A_132 : i32
      %get3A_134 = arith.index_cast %mul3A_133 : i32 to index
      %get3A_135 = tpu.vector_load %arg14[%get3A_134] {strides = array<i32>} : memref<2000xf32, #tpu.memory_space<vmem>>, vector<16xf32>,
      %max3A_136 = arith.constant 0.000000e+00 : f32
      %max3A_137 = vector.broadcast %max3A_136 : f32 to vector<16xf32>
      %max3A_138 = arith.maximumf %get3A_135, %max3A_137 : vector<16xf32>
      %min3A_139 = arith.constant 1.000000e+01 : f32
      %min3A_140 = vector.broadcast %min3A_139 : f32 to vector<16xf32>
      %min3A_141 = arith.minimumf %max3A_138, %min3A_140 : vector<16xf32>
      %get3A_142 = arith.index_cast %mul3A_133 : i32 to index
      %get3A_143 = tpu.vector_load %arg12[%get3A_142] {strides = array<i32>} : memref<2000xf32, #tpu.memory_space<vmem>>, vector<16xf32>,
      %mul3A_144 = arith.mulf %min3A_141, %get3A_143 : vector<16xf32>
      %get3A_145 = arith.index_cast %mul3A_133 : i32 to index
      %get3A_146 = tpu.vector_load %arg10[%get3A_145] {strides = array<i32>} : memref<2000xi32, #tpu.memory_space<vmem>>, vector<16xi32>,
      tpu.vector_store_idx %arg7[%get3A_146], %mul3A_144 {add = true} : memref<100352xf32, #tpu.memory_space<vmem>>[vector<16xi32>], vector<16xf32>,
      %scan3A_147 = arith.constant 122 : i32
      %scan3A_148 = arith.addi %scan3A_112, %scan3A_147 : i32
      %mul3A_149 = arith.constant 16 : i32
      %mul3A_150 = arith.muli %scan3A_148, %mul3A_149 : i32
      %get3A_151 = arith.index_cast %mul3A_150 : i32 to index
      %get3A_152 = tpu.vector_load %arg14[%get3A_151] {strides = array<i32>} : memref<2000xf32, #tpu.memory_space<vmem>>, vector<16xf32>,
      %max3A_153 = arith.constant 0.000000e+00 : f32
      %max3A_154 = vector.broadcast %max3A_153 : f32 to vector<16xf32>
      %max3A_155 = arith.maximumf %get3A_152, %max3A_154 : vector<16xf32>
      %min3A_156 = arith.constant 1.000000e+01 : f32
      %min3A_157 = vector.broadcast %min3A_156 : f32 to vector<16xf32>
      %min3A_158 = arith.minimumf %max3A_155, %min3A_157 : vector<16xf32>
      %get3A_159 = arith.index_cast %mul3A_150 : i32 to index
      %get3A_160 = tpu.vector_load %arg12[%get3A_159] {strides = array<i32>} : memref<2000xf32, #tpu.memory_space<vmem>>, vector<16xf32>,
      %mul3A_161 = arith.mulf %min3A_158, %get3A_160 : vector<16xf32>
      %get3A_162 = arith.index_cast %mul3A_150 : i32 to index
      %get3A_163 = tpu.vector_load %arg10[%get3A_162] {strides = array<i32>} : memref<2000xi32, #tpu.memory_space<vmem>>, vector<16xi32>,
      tpu.vector_store_idx %arg7[%get3A_163], %mul3A_161 {add = true} : memref<100352xf32, #tpu.memory_space<vmem>>[vector<16xi32>], vector<16xf32>,
      %scan3A_164 = arith.constant 123 : i32
      %scan3A_165 = arith.addi %scan3A_112, %scan3A_164 : i32
      %mul3A_166 = arith.constant 16 : i32
      %mul3A_167 = arith.muli %scan3A_165, %mul3A_166 : i32
      %get3A_168 = arith.index_cast %mul3A_167 : i32 to index
      %get3A_169 = tpu.vector_load %arg14[%get3A_168] {strides = array<i32>} : memref<2000xf32, #tpu.memory_space<vmem>>, vector<16xf32>,
      %max3A_170 = arith.constant 0.000000e+00 : f32
      %max3A_171 = vector.broadcast %max3A_170 : f32 to vector<16xf32>
      %max3A_172 = arith.maximumf %get3A_169, %max3A_171 : vector<16xf32>
      %min3A_173 = arith.constant 1.000000e+01 : f32
      %min3A_174 = vector.broadcast %min3A_173 : f32 to vector<16xf32>
      %min3A_175 = arith.minimumf %max3A_172, %min3A_174 : vector<16xf32>
      %get3A_176 = arith.index_cast %mul3A_167 : i32 to index
      %get3A_177 = tpu.vector_load %arg12[%get3A_176] {strides = array<i32>} : memref<2000xf32, #tpu.memory_space<vmem>>, vector<16xf32>,
      %mul3A_178 = arith.mulf %min3A_175, %get3A_177 : vector<16xf32>
      %get3A_179 = arith.index_cast %mul3A_167 : i32 to index
      %get3A_180 = tpu.vector_load %arg10[%get3A_179] {strides = array<i32>} : memref<2000xi32, #tpu.memory_space<vmem>>, vector<16xi32>,
      tpu.vector_store_idx %arg7[%get3A_180], %mul3A_178 {add = true} : memref<100352xf32, #tpu.memory_space<vmem>>[vector<16xi32>], vector<16xf32>,
      %scan3A_181 = arith.constant 124 : i32
      %scan3A_182 = arith.addi %scan3A_112, %scan3A_181 : i32
      %mul3A_183 = arith.constant 16 : i32
      %mul3A_184 = arith.muli %scan3A_182, %mul3A_183 : i32
      %get3A_185 = arith.index_cast %mul3A_184 : i32 to index
      %get3A_186 = tpu.vector_load %arg14[%get3A_185] {strides = array<i32>} : memref<2000xf32, #tpu.memory_space<vmem>>, vector<16xf32>,
      %max3A_187 = arith.constant 0.000000e+00 : f32
      %max3A_188 = vector.broadcast %max3A_187 : f32 to vector<16xf32>
      %max3A_189 = arith.maximumf %get3A_186, %max3A_188 : vector<16xf32>
      %min3A_190 = arith.constant 1.000000e+01 : f32
      %min3A_191 = vector.broadcast %min3A_190 : f32 to vector<16xf32>
      %min3A_192 = arith.minimumf %max3A_189, %min3A_191 : vector<16xf32>
      %get3A_193 = arith.index_cast %mul3A_184 : i32 to index
      %get3A_194 = tpu.vector_load %arg12[%get3A_193] {strides = array<i32>} : memref<2000xf32, #tpu.memory_space<vmem>>, vector<16xf32>,
      %mul3A_195 = arith.mulf %min3A_192, %get3A_194 : vector<16xf32>
      %get3A_196 = arith.index_cast %mul3A_184 : i32 to index
      %get3A_197 = tpu.vector_load %arg10[%get3A_196] {strides = array<i32>} : memref<2000xi32, #tpu.memory_space<vmem>>, vector<16xi32>,
      tpu.vector_store_idx %arg7[%get3A_197], %mul3A_195 {add = true} : memref<100352xf32, #tpu.memory_space<vmem>>[vector<16xi32>], vector<16xf32>,
      %scan3A_198 = arith.constant 125 : i32
      %dma_wait3A_199 = arith.constant 0 : i32
      %dma_wait3A_200 = tpu.memref_slice %arg3[%dma_wait3A_199] : memref<6400000xi32, #tpu.memory_space<hbm>> -> memref<2000xi32, #tpu.memory_space<hbm>>
      %dma_wait3A_201 = arith.constant 0 : i32
      %dma_wait3A_202 = tpu.memref_slice %arg3[%dma_wait3A_201] : memref<6400000xi32, #tpu.memory_space<hbm>> -> memref<2000xi32, #tpu.memory_space<hbm>>
      tpu.wait_dma2 semaphore(%arg18 : memref<!tpu.dma_semaphore, #tpu.memory_space<semaphore_mem>>) src(%dma_wait3A_202 : memref<2000xi32, #tpu.memory_space<hbm>>) dst(%arg9 : memref<2000xi32, #tpu.memory_space<vmem>>)
      %dma_wait3A_203 = arith.constant 0 : i32
      %dma_wait3A_204 = tpu.memref_slice %arg4[%dma_wait3A_203] : memref<6400000xi32, #tpu.memory_space<hbm>> -> memref<2000xi32, #tpu.memory_space<hbm>>
      %dma_wait3A_205 = arith.constant 0 : i32
      %dma_wait3A_206 = tpu.memref_slice %arg4[%dma_wait3A_205] : memref<6400000xi32, #tpu.memory_space<hbm>> -> memref<2000xi32, #tpu.memory_space<hbm>>
      tpu.wait_dma2 semaphore(%arg18 : memref<!tpu.dma_semaphore, #tpu.memory_space<semaphore_mem>>) src(%dma_wait3A_206 : memref<2000xi32, #tpu.memory_space<hbm>>) dst(%arg11 : memref<2000xi32, #tpu.memory_space<vmem>>)
      %dma_wait3A_207 = arith.constant 0 : i32
      %dma_wait3A_208 = tpu.memref_slice %arg5[%dma_wait3A_207] : memref<6400000xf32, #tpu.memory_space<hbm>> -> memref<2000xf32, #tpu.memory_space<hbm>>
      %dma_wait3A_209 = arith.constant 0 : i32
      %dma_wait3A_210 = tpu.memref_slice %arg5[%dma_wait3A_209] : memref<6400000xf32, #tpu.memory_space<hbm>> -> memref<2000xf32, #tpu.memory_space<hbm>>
      tpu.wait_dma2 semaphore(%arg18 : memref<!tpu.dma_semaphore, #tpu.memory_space<semaphore_mem>>) src(%dma_wait3A_210 : memref<2000xf32, #tpu.memory_space<hbm>>) dst(%arg13 : memref<2000xf32, #tpu.memory_space<vmem>>)
      %dma_start3A_211 = arith.constant 0 : i32
      %dma_start3A_212 = tpu.memref_slice %arg15[%dma_start3A_211] : memref<2000xf32, #tpu.memory_space<vmem>> -> memref<400xf32, #tpu.memory_space<vmem>>
      %dma_start3A_213 = arith.constant 0 : i32
      %dma_start3A_214 = tpu.memref_slice %arg9[%dma_start3A_213] : memref<2000xi32, #tpu.memory_space<vmem>> -> memref<400xi32, #tpu.memory_space<vmem>>
      %dma_start3A_215 = arith.constant 0 : i32
      %dma_start3A_216 = tpu.memref_slice %arg16[%dma_start3A_215] : memref<100352xf32, #tpu.memory_space<vmem_shared>> -> memref<100352xf32, #tpu.memory_space<vmem_shared>>
      tpu.enqueue_indirect_dma source(%dma_start3A_216 : memref<100352xf32, #tpu.memory_space<vmem_shared>>) target(%dma_start3A_212 : memref<400xf32, #tpu.memory_space<vmem>>) offsets(%dma_start3A_214 : memref<400xi32, #tpu.memory_space<vmem>>) semaphore(%arg20 : memref<!tpu.dma_semaphore, #tpu.memory_space<semaphore_mem>>)
      %dma_start3A_217 = arith.constant 400 : i32
      %dma_start3A_218 = tpu.memref_slice %arg15[%dma_start3A_217] : memref<2000xf32, #tpu.memory_space<vmem>> -> memref<400xf32, #tpu.memory_space<vmem>>
      %dma_start3A_219 = arith.constant 400 : i32
      %dma_start3A_220 = tpu.memref_slice %arg9[%dma_start3A_219] : memref<2000xi32, #tpu.memory_space<vmem>> -> memref<400xi32, #tpu.memory_space<vmem>>
      %dma_start3A_221 = arith.constant 0 : i32
      %dma_start3A_222 = tpu.memref_slice %arg16[%dma_start3A_221] : memref<100352xf32, #tpu.memory_space<vmem_shared>> -> memref<100352xf32, #tpu.memory_space<vmem_shared>>
      tpu.enqueue_indirect_dma source(%dma_start3A_222 : memref<100352xf32, #tpu.memory_space<vmem_shared>>) target(%dma_start3A_218 : memref<400xf32, #tpu.memory_space<vmem>>) offsets(%dma_start3A_220 : memref<400xi32, #tpu.memory_space<vmem>>) semaphore(%arg20 : memref<!tpu.dma_semaphore, #tpu.memory_space<semaphore_mem>>)
      %dma_start3A_223 = arith.constant 800 : i32
      %dma_start3A_224 = tpu.memref_slice %arg15[%dma_start3A_223] : memref<2000xf32, #tpu.memory_space<vmem>> -> memref<400xf32, #tpu.memory_space<vmem>>
      %dma_start3A_225 = arith.constant 800 : i32
      %dma_start3A_226 = tpu.memref_slice %arg9[%dma_start3A_225] : memref<2000xi32, #tpu.memory_space<vmem>> -> memref<400xi32, #tpu.memory_space<vmem>>
      %dma_start3A_227 = arith.constant 0 : i32
      %dma_start3A_228 = tpu.memref_slice %arg16[%dma_start3A_227] : memref<100352xf32, #tpu.memory_space<vmem_shared>> -> memref<100352xf32, #tpu.memory_space<vmem_shared>>
      tpu.enqueue_indirect_dma source(%dma_start3A_228 : memref<100352xf32, #tpu.memory_space<vmem_shared>>) target(%dma_start3A_224 : memref<400xf32, #tpu.memory_space<vmem>>) offsets(%dma_start3A_226 : memref<400xi32, #tpu.memory_space<vmem>>) semaphore(%arg20 : memref<!tpu.dma_semaphore, #tpu.memory_space<semaphore_mem>>)
      %dma_start3A_229 = arith.constant 1200 : i32
      %dma_start3A_230 = tpu.memref_slice %arg15[%dma_start3A_229] : memref<2000xf32, #tpu.memory_space<vmem>> -> memref<400xf32, #tpu.memory_space<vmem>>
      %dma_start3A_231 = arith.constant 1200 : i32
      %dma_start3A_232 = tpu.memref_slice %arg9[%dma_start3A_231] : memref<2000xi32, #tpu.memory_space<vmem>> -> memref<400xi32, #tpu.memory_space<vmem>>
      %dma_start3A_233 = arith.constant 0 : i32
      %dma_start3A_234 = tpu.memref_slice %arg16[%dma_start3A_233] : memref<100352xf32, #tpu.memory_space<vmem_shared>> -> memref<100352xf32, #tpu.memory_space<vmem_shared>>
      tpu.enqueue_indirect_dma source(%dma_start3A_234 : memref<100352xf32, #tpu.memory_space<vmem_shared>>) target(%dma_start3A_230 : memref<400xf32, #tpu.memory_space<vmem>>) offsets(%dma_start3A_232 : memref<400xi32, #tpu.memory_space<vmem>>) semaphore(%arg20 : memref<!tpu.dma_semaphore, #tpu.memory_space<semaphore_mem>>)
      %dma_start3A_235 = arith.constant 1600 : i32
      %dma_start3A_236 = tpu.memref_slice %arg15[%dma_start3A_235] : memref<2000xf32, #tpu.memory_space<vmem>> -> memref<400xf32, #tpu.memory_space<vmem>>
      %dma_start3A_237 = arith.constant 1600 : i32
      %dma_start3A_238 = tpu.memref_slice %arg9[%dma_start3A_237] : memref<2000xi32, #tpu.memory_space<vmem>> -> memref<400xi32, #tpu.memory_space<vmem>>
      %dma_start3A_239 = arith.constant 0 : i32
      %dma_start3A_240 = tpu.memref_slice %arg16[%dma_start3A_239] : memref<100352xf32, #tpu.memory_space<vmem_shared>> -> memref<100352xf32, #tpu.memory_space<vmem_shared>>
      tpu.enqueue_indirect_dma source(%dma_start3A_240 : memref<100352xf32, #tpu.memory_space<vmem_shared>>) target(%dma_start3A_236 : memref<400xf32, #tpu.memory_space<vmem>>) offsets(%dma_start3A_238 : memref<400xi32, #tpu.memory_space<vmem>>) semaphore(%arg20 : memref<!tpu.dma_semaphore, #tpu.memory_space<semaphore_mem>>)
      %lt3A = arith.constant 49 : i32
      %lt3A_241 = arith.cmpi slt, %scan3A_80, %lt3A : i32
      %convert_element_type3A = arith.extui %lt3A_241 : i1 to i32
      %cond3A = arith.constant 0 : i32
      %cond3A_242 = arith.cmpi ne, %convert_element_type3A, %cond3A : i32
      scf.if %cond3A_242 {
        %mul3A_369 = arith.constant 2 : i32
        %mul3A_370 = arith.muli %mul3A_369, %scan3A_80 : i32
        %add3A_371 = arith.constant 2 : i32
        %add3A_372 = arith.addi %mul3A_370, %add3A_371 : i32
        %mul3A_373 = arith.constant 2000 : i32
        %mul3A_374 = arith.muli %add3A_372, %mul3A_373 : i32
        %add3A_375 = arith.addi %mul3A_4, %mul3A_374 : i32
        %dma_start3A_376 = tpu.memref_slice %arg3[%add3A_375] : memref<6400000xi32, #tpu.memory_space<hbm>> -> memref<2000xi32, #tpu.memory_space<hbm>>
        %dma_start3A_377 = tpu.memref_slice %arg3[%add3A_375] : memref<6400000xi32, #tpu.memory_space<hbm>> -> memref<2000xi32, #tpu.memory_space<hbm>>
        tpu.enqueue_dma source(%dma_start3A_377 : memref<2000xi32, #tpu.memory_space<hbm>>) target(%arg8 : memref<2000xi32, #tpu.memory_space<vmem>>) target_semaphore(%arg17 : memref<!tpu.dma_semaphore, #tpu.memory_space<semaphore_mem>>)
        %dma_start3A_378 = tpu.memref_slice %arg4[%add3A_375] : memref<6400000xi32, #tpu.memory_space<hbm>> -> memref<2000xi32, #tpu.memory_space<hbm>>
        %dma_start3A_379 = tpu.memref_slice %arg4[%add3A_375] : memref<6400000xi32, #tpu.memory_space<hbm>> -> memref<2000xi32, #tpu.memory_space<hbm>>
        tpu.enqueue_dma source(%dma_start3A_379 : memref<2000xi32, #tpu.memory_space<hbm>>) target(%arg10 : memref<2000xi32, #tpu.memory_space<vmem>>) target_semaphore(%arg17 : memref<!tpu.dma_semaphore, #tpu.memory_space<semaphore_mem>>)
        %dma_start3A_380 = tpu.memref_slice %arg5[%add3A_375] : memref<6400000xf32, #tpu.memory_space<hbm>> -> memref<2000xf32, #tpu.memory_space<hbm>>
        %dma_start3A_381 = tpu.memref_slice %arg5[%add3A_375] : memref<6400000xf32, #tpu.memory_space<hbm>> -> memref<2000xf32, #tpu.memory_space<hbm>>
        tpu.enqueue_dma source(%dma_start3A_381 : memref<2000xf32, #tpu.memory_space<hbm>>) target(%arg12 : memref<2000xf32, #tpu.memory_space<vmem>>) target_semaphore(%arg17 : memref<!tpu.dma_semaphore, #tpu.memory_space<semaphore_mem>>)
      } else {
      }
      %dma_wait3A_243 = arith.constant 0 : i32
      %dma_wait3A_244 = tpu.memref_slice %arg15[%dma_wait3A_243] : memref<2000xf32, #tpu.memory_space<vmem>> -> memref<400xf32, #tpu.memory_space<vmem>>
      %dma_wait3A_245 = arith.constant 0 : i32
      %dma_wait3A_246 = tpu.memref_slice %arg9[%dma_wait3A_245] : memref<2000xi32, #tpu.memory_space<vmem>> -> memref<400xi32, #tpu.memory_space<vmem>>
      %dma_wait3A_247 = arith.constant 0 : i32
      %dma_wait3A_248 = tpu.memref_slice %arg16[%dma_wait3A_247] : memref<100352xf32, #tpu.memory_space<vmem_shared>> -> memref<100352xf32, #tpu.memory_space<vmem_shared>>
      tpu.wait_indirect_dma semaphore(%arg20 : memref<!tpu.dma_semaphore, #tpu.memory_space<semaphore_mem>>) src(%dma_wait3A_248 : memref<100352xf32, #tpu.memory_space<vmem_shared>>) dst(%dma_wait3A_244 : memref<400xf32, #tpu.memory_space<vmem>>)
      %dma_wait3A_249 = arith.constant 400 : i32
      %dma_wait3A_250 = tpu.memref_slice %arg15[%dma_wait3A_249] : memref<2000xf32, #tpu.memory_space<vmem>> -> memref<400xf32, #tpu.memory_space<vmem>>
      %dma_wait3A_251 = arith.constant 400 : i32
      %dma_wait3A_252 = tpu.memref_slice %arg9[%dma_wait3A_251] : memref<2000xi32, #tpu.memory_space<vmem>> -> memref<400xi32, #tpu.memory_space<vmem>>
      %dma_wait3A_253 = arith.constant 0 : i32
      %dma_wait3A_254 = tpu.memref_slice %arg16[%dma_wait3A_253] : memref<100352xf32, #tpu.memory_space<vmem_shared>> -> memref<100352xf32, #tpu.memory_space<vmem_shared>>
      tpu.wait_indirect_dma semaphore(%arg20 : memref<!tpu.dma_semaphore, #tpu.memory_space<semaphore_mem>>) src(%dma_wait3A_254 : memref<100352xf32, #tpu.memory_space<vmem_shared>>) dst(%dma_wait3A_250 : memref<400xf32, #tpu.memory_space<vmem>>)
      %dma_wait3A_255 = arith.constant 800 : i32
      %dma_wait3A_256 = tpu.memref_slice %arg15[%dma_wait3A_255] : memref<2000xf32, #tpu.memory_space<vmem>> -> memref<400xf32, #tpu.memory_space<vmem>>
      %dma_wait3A_257 = arith.constant 800 : i32
      %dma_wait3A_258 = tpu.memref_slice %arg9[%dma_wait3A_257] : memref<2000xi32, #tpu.memory_space<vmem>> -> memref<400xi32, #tpu.memory_space<vmem>>
      %dma_wait3A_259 = arith.constant 0 : i32
      %dma_wait3A_260 = tpu.memref_slice %arg16[%dma_wait3A_259] : memref<100352xf32, #tpu.memory_space<vmem_shared>> -> memref<100352xf32, #tpu.memory_space<vmem_shared>>
      tpu.wait_indirect_dma semaphore(%arg20 : memref<!tpu.dma_semaphore, #tpu.memory_space<semaphore_mem>>) src(%dma_wait3A_260 : memref<100352xf32, #tpu.memory_space<vmem_shared>>) dst(%dma_wait3A_256 : memref<400xf32, #tpu.memory_space<vmem>>)
      %dma_wait3A_261 = arith.constant 1200 : i32
      %dma_wait3A_262 = tpu.memref_slice %arg15[%dma_wait3A_261] : memref<2000xf32, #tpu.memory_space<vmem>> -> memref<400xf32, #tpu.memory_space<vmem>>
      %dma_wait3A_263 = arith.constant 1200 : i32
      %dma_wait3A_264 = tpu.memref_slice %arg9[%dma_wait3A_263] : memref<2000xi32, #tpu.memory_space<vmem>> -> memref<400xi32, #tpu.memory_space<vmem>>
      %dma_wait3A_265 = arith.constant 0 : i32
      %dma_wait3A_266 = tpu.memref_slice %arg16[%dma_wait3A_265] : memref<100352xf32, #tpu.memory_space<vmem_shared>> -> memref<100352xf32, #tpu.memory_space<vmem_shared>>
      tpu.wait_indirect_dma semaphore(%arg20 : memref<!tpu.dma_semaphore, #tpu.memory_space<semaphore_mem>>) src(%dma_wait3A_266 : memref<100352xf32, #tpu.memory_space<vmem_shared>>) dst(%dma_wait3A_262 : memref<400xf32, #tpu.memory_space<vmem>>)
      %dma_wait3A_267 = arith.constant 1600 : i32
      %dma_wait3A_268 = tpu.memref_slice %arg15[%dma_wait3A_267] : memref<2000xf32, #tpu.memory_space<vmem>> -> memref<400xf32, #tpu.memory_space<vmem>>
      %dma_wait3A_269 = arith.constant 1600 : i32
      %dma_wait3A_270 = tpu.memref_slice %arg9[%dma_wait3A_269] : memref<2000xi32, #tpu.memory_space<vmem>> -> memref<400xi32, #tpu.memory_space<vmem>>
      %dma_wait3A_271 = arith.constant 0 : i32
      %dma_wait3A_272 = tpu.memref_slice %arg16[%dma_wait3A_271] : memref<100352xf32, #tpu.memory_space<vmem_shared>> -> memref<100352xf32, #tpu.memory_space<vmem_shared>>
      tpu.wait_indirect_dma semaphore(%arg20 : memref<!tpu.dma_semaphore, #tpu.memory_space<semaphore_mem>>) src(%dma_wait3A_272 : memref<100352xf32, #tpu.memory_space<vmem_shared>>) dst(%dma_wait3A_268 : memref<400xf32, #tpu.memory_space<vmem>>)
      %scan3A_273 = arith.constant 0 : i32
      %scan3A_274 = arith.constant 0 : i32
      %scan3A_275 = arith.constant 120 : i32
      %scan3A_276 = arith.addi %scan3A_274, %scan3A_275 : i32
      %scan3A_277 = arith.constant 8 : i32
      scf.for %scan3A_369 = %scan3A_274 to %scan3A_276 step %scan3A_277  : i32 {
        %mul3A_370 = arith.constant 16 : i32
        %mul3A_371 = arith.muli %scan3A_369, %mul3A_370 : i32
        %get3A_372 = arith.index_cast %mul3A_371 : i32 to index
        %get3A_373 = tpu.vector_load %arg15[%get3A_372] {strides = array<i32>} : memref<2000xf32, #tpu.memory_space<vmem>>, vector<16xf32>,
        %max3A_374 = arith.constant 0.000000e+00 : f32
        %max3A_375 = vector.broadcast %max3A_374 : f32 to vector<16xf32>
        %max3A_376 = arith.maximumf %get3A_373, %max3A_375 : vector<16xf32>
        %min3A_377 = arith.constant 1.000000e+01 : f32
        %min3A_378 = vector.broadcast %min3A_377 : f32 to vector<16xf32>
        %min3A_379 = arith.minimumf %max3A_376, %min3A_378 : vector<16xf32>
        %get3A_380 = arith.index_cast %mul3A_371 : i32 to index
        %get3A_381 = tpu.vector_load %arg13[%get3A_380] {strides = array<i32>} : memref<2000xf32, #tpu.memory_space<vmem>>, vector<16xf32>,
        %mul3A_382 = arith.mulf %min3A_379, %get3A_381 : vector<16xf32>
        %get3A_383 = arith.index_cast %mul3A_371 : i32 to index
        %get3A_384 = tpu.vector_load %arg11[%get3A_383] {strides = array<i32>} : memref<2000xi32, #tpu.memory_space<vmem>>, vector<16xi32>,
        tpu.vector_store_idx %arg7[%get3A_384], %mul3A_382 {add = true} : memref<100352xf32, #tpu.memory_space<vmem>>[vector<16xi32>], vector<16xf32>,
        %scan3A_385 = arith.constant 1 : i32
        %scan3A_386 = arith.addi %scan3A_369, %scan3A_385 : i32
        %mul3A_387 = arith.constant 16 : i32
        %mul3A_388 = arith.muli %scan3A_386, %mul3A_387 : i32
        %get3A_389 = arith.index_cast %mul3A_388 : i32 to index
        %get3A_390 = tpu.vector_load %arg15[%get3A_389] {strides = array<i32>} : memref<2000xf32, #tpu.memory_space<vmem>>, vector<16xf32>,
        %max3A_391 = arith.constant 0.000000e+00 : f32
        %max3A_392 = vector.broadcast %max3A_391 : f32 to vector<16xf32>
        %max3A_393 = arith.maximumf %get3A_390, %max3A_392 : vector<16xf32>
        %min3A_394 = arith.constant 1.000000e+01 : f32
        %min3A_395 = vector.broadcast %min3A_394 : f32 to vector<16xf32>
        %min3A_396 = arith.minimumf %max3A_393, %min3A_395 : vector<16xf32>
        %get3A_397 = arith.index_cast %mul3A_388 : i32 to index
        %get3A_398 = tpu.vector_load %arg13[%get3A_397] {strides = array<i32>} : memref<2000xf32, #tpu.memory_space<vmem>>, vector<16xf32>,
        %mul3A_399 = arith.mulf %min3A_396, %get3A_398 : vector<16xf32>
        %get3A_400 = arith.index_cast %mul3A_388 : i32 to index
        %get3A_401 = tpu.vector_load %arg11[%get3A_400] {strides = array<i32>} : memref<2000xi32, #tpu.memory_space<vmem>>, vector<16xi32>,
        tpu.vector_store_idx %arg7[%get3A_401], %mul3A_399 {add = true} : memref<100352xf32, #tpu.memory_space<vmem>>[vector<16xi32>], vector<16xf32>,
        %scan3A_402 = arith.constant 2 : i32
        %scan3A_403 = arith.addi %scan3A_369, %scan3A_402 : i32
        %mul3A_404 = arith.constant 16 : i32
        %mul3A_405 = arith.muli %scan3A_403, %mul3A_404 : i32
        %get3A_406 = arith.index_cast %mul3A_405 : i32 to index
        %get3A_407 = tpu.vector_load %arg15[%get3A_406] {strides = array<i32>} : memref<2000xf32, #tpu.memory_space<vmem>>, vector<16xf32>,
        %max3A_408 = arith.constant 0.000000e+00 : f32
        %max3A_409 = vector.broadcast %max3A_408 : f32 to vector<16xf32>
        %max3A_410 = arith.maximumf %get3A_407, %max3A_409 : vector<16xf32>
        %min3A_411 = arith.constant 1.000000e+01 : f32
        %min3A_412 = vector.broadcast %min3A_411 : f32 to vector<16xf32>
        %min3A_413 = arith.minimumf %max3A_410, %min3A_412 : vector<16xf32>
        %get3A_414 = arith.index_cast %mul3A_405 : i32 to index
        %get3A_415 = tpu.vector_load %arg13[%get3A_414] {strides = array<i32>} : memref<2000xf32, #tpu.memory_space<vmem>>, vector<16xf32>,
        %mul3A_416 = arith.mulf %min3A_413, %get3A_415 : vector<16xf32>
        %get3A_417 = arith.index_cast %mul3A_405 : i32 to index
        %get3A_418 = tpu.vector_load %arg11[%get3A_417] {strides = array<i32>} : memref<2000xi32, #tpu.memory_space<vmem>>, vector<16xi32>,
        tpu.vector_store_idx %arg7[%get3A_418], %mul3A_416 {add = true} : memref<100352xf32, #tpu.memory_space<vmem>>[vector<16xi32>], vector<16xf32>,
        %scan3A_419 = arith.constant 3 : i32
        %scan3A_420 = arith.addi %scan3A_369, %scan3A_419 : i32
        %mul3A_421 = arith.constant 16 : i32
        %mul3A_422 = arith.muli %scan3A_420, %mul3A_421 : i32
        %get3A_423 = arith.index_cast %mul3A_422 : i32 to index
        %get3A_424 = tpu.vector_load %arg15[%get3A_423] {strides = array<i32>} : memref<2000xf32, #tpu.memory_space<vmem>>, vector<16xf32>,
        %max3A_425 = arith.constant 0.000000e+00 : f32
        %max3A_426 = vector.broadcast %max3A_425 : f32 to vector<16xf32>
        %max3A_427 = arith.maximumf %get3A_424, %max3A_426 : vector<16xf32>
        %min3A_428 = arith.constant 1.000000e+01 : f32
        %min3A_429 = vector.broadcast %min3A_428 : f32 to vector<16xf32>
        %min3A_430 = arith.minimumf %max3A_427, %min3A_429 : vector<16xf32>
        %get3A_431 = arith.index_cast %mul3A_422 : i32 to index
        %get3A_432 = tpu.vector_load %arg13[%get3A_431] {strides = array<i32>} : memref<2000xf32, #tpu.memory_space<vmem>>, vector<16xf32>,
        %mul3A_433 = arith.mulf %min3A_430, %get3A_432 : vector<16xf32>
        %get3A_434 = arith.index_cast %mul3A_422 : i32 to index
        %get3A_435 = tpu.vector_load %arg11[%get3A_434] {strides = array<i32>} : memref<2000xi32, #tpu.memory_space<vmem>>, vector<16xi32>,
        tpu.vector_store_idx %arg7[%get3A_435], %mul3A_433 {add = true} : memref<100352xf32, #tpu.memory_space<vmem>>[vector<16xi32>], vector<16xf32>,
        %scan3A_436 = arith.constant 4 : i32
        %scan3A_437 = arith.addi %scan3A_369, %scan3A_436 : i32
        %mul3A_438 = arith.constant 16 : i32
        %mul3A_439 = arith.muli %scan3A_437, %mul3A_438 : i32
        %get3A_440 = arith.index_cast %mul3A_439 : i32 to index
        %get3A_441 = tpu.vector_load %arg15[%get3A_440] {strides = array<i32>} : memref<2000xf32, #tpu.memory_space<vmem>>, vector<16xf32>,
        %max3A_442 = arith.constant 0.000000e+00 : f32
        %max3A_443 = vector.broadcast %max3A_442 : f32 to vector<16xf32>
        %max3A_444 = arith.maximumf %get3A_441, %max3A_443 : vector<16xf32>
        %min3A_445 = arith.constant 1.000000e+01 : f32
        %min3A_446 = vector.broadcast %min3A_445 : f32 to vector<16xf32>
        %min3A_447 = arith.minimumf %max3A_444, %min3A_446 : vector<16xf32>
        %get3A_448 = arith.index_cast %mul3A_439 : i32 to index
        %get3A_449 = tpu.vector_load %arg13[%get3A_448] {strides = array<i32>} : memref<2000xf32, #tpu.memory_space<vmem>>, vector<16xf32>,
        %mul3A_450 = arith.mulf %min3A_447, %get3A_449 : vector<16xf32>
        %get3A_451 = arith.index_cast %mul3A_439 : i32 to index
        %get3A_452 = tpu.vector_load %arg11[%get3A_451] {strides = array<i32>} : memref<2000xi32, #tpu.memory_space<vmem>>, vector<16xi32>,
        tpu.vector_store_idx %arg7[%get3A_452], %mul3A_450 {add = true} : memref<100352xf32, #tpu.memory_space<vmem>>[vector<16xi32>], vector<16xf32>,
        %scan3A_453 = arith.constant 5 : i32
        %scan3A_454 = arith.addi %scan3A_369, %scan3A_453 : i32
        %mul3A_455 = arith.constant 16 : i32
        %mul3A_456 = arith.muli %scan3A_454, %mul3A_455 : i32
        %get3A_457 = arith.index_cast %mul3A_456 : i32 to index
        %get3A_458 = tpu.vector_load %arg15[%get3A_457] {strides = array<i32>} : memref<2000xf32, #tpu.memory_space<vmem>>, vector<16xf32>,
        %max3A_459 = arith.constant 0.000000e+00 : f32
        %max3A_460 = vector.broadcast %max3A_459 : f32 to vector<16xf32>
        %max3A_461 = arith.maximumf %get3A_458, %max3A_460 : vector<16xf32>
        %min3A_462 = arith.constant 1.000000e+01 : f32
        %min3A_463 = vector.broadcast %min3A_462 : f32 to vector<16xf32>
        %min3A_464 = arith.minimumf %max3A_461, %min3A_463 : vector<16xf32>
        %get3A_465 = arith.index_cast %mul3A_456 : i32 to index
        %get3A_466 = tpu.vector_load %arg13[%get3A_465] {strides = array<i32>} : memref<2000xf32, #tpu.memory_space<vmem>>, vector<16xf32>,
        %mul3A_467 = arith.mulf %min3A_464, %get3A_466 : vector<16xf32>
        %get3A_468 = arith.index_cast %mul3A_456 : i32 to index
        %get3A_469 = tpu.vector_load %arg11[%get3A_468] {strides = array<i32>} : memref<2000xi32, #tpu.memory_space<vmem>>, vector<16xi32>,
        tpu.vector_store_idx %arg7[%get3A_469], %mul3A_467 {add = true} : memref<100352xf32, #tpu.memory_space<vmem>>[vector<16xi32>], vector<16xf32>,
        %scan3A_470 = arith.constant 6 : i32
        %scan3A_471 = arith.addi %scan3A_369, %scan3A_470 : i32
        %mul3A_472 = arith.constant 16 : i32
        %mul3A_473 = arith.muli %scan3A_471, %mul3A_472 : i32
        %get3A_474 = arith.index_cast %mul3A_473 : i32 to index
        %get3A_475 = tpu.vector_load %arg15[%get3A_474] {strides = array<i32>} : memref<2000xf32, #tpu.memory_space<vmem>>, vector<16xf32>,
        %max3A_476 = arith.constant 0.000000e+00 : f32
        %max3A_477 = vector.broadcast %max3A_476 : f32 to vector<16xf32>
        %max3A_478 = arith.maximumf %get3A_475, %max3A_477 : vector<16xf32>
        %min3A_479 = arith.constant 1.000000e+01 : f32
        %min3A_480 = vector.broadcast %min3A_479 : f32 to vector<16xf32>
        %min3A_481 = arith.minimumf %max3A_478, %min3A_480 : vector<16xf32>
        %get3A_482 = arith.index_cast %mul3A_473 : i32 to index
        %get3A_483 = tpu.vector_load %arg13[%get3A_482] {strides = array<i32>} : memref<2000xf32, #tpu.memory_space<vmem>>, vector<16xf32>,
        %mul3A_484 = arith.mulf %min3A_481, %get3A_483 : vector<16xf32>
        %get3A_485 = arith.index_cast %mul3A_473 : i32 to index
        %get3A_486 = tpu.vector_load %arg11[%get3A_485] {strides = array<i32>} : memref<2000xi32, #tpu.memory_space<vmem>>, vector<16xi32>,
        tpu.vector_store_idx %arg7[%get3A_486], %mul3A_484 {add = true} : memref<100352xf32, #tpu.memory_space<vmem>>[vector<16xi32>], vector<16xf32>,
        %scan3A_487 = arith.constant 7 : i32
        %scan3A_488 = arith.addi %scan3A_369, %scan3A_487 : i32
        %mul3A_489 = arith.constant 16 : i32
        %mul3A_490 = arith.muli %scan3A_488, %mul3A_489 : i32
        %get3A_491 = arith.index_cast %mul3A_490 : i32 to index
        %get3A_492 = tpu.vector_load %arg15[%get3A_491] {strides = array<i32>} : memref<2000xf32, #tpu.memory_space<vmem>>, vector<16xf32>,
        %max3A_493 = arith.constant 0.000000e+00 : f32
        %max3A_494 = vector.broadcast %max3A_493 : f32 to vector<16xf32>
        %max3A_495 = arith.maximumf %get3A_492, %max3A_494 : vector<16xf32>
        %min3A_496 = arith.constant 1.000000e+01 : f32
        %min3A_497 = vector.broadcast %min3A_496 : f32 to vector<16xf32>
        %min3A_498 = arith.minimumf %max3A_495, %min3A_497 : vector<16xf32>
        %get3A_499 = arith.index_cast %mul3A_490 : i32 to index
        %get3A_500 = tpu.vector_load %arg13[%get3A_499] {strides = array<i32>} : memref<2000xf32, #tpu.memory_space<vmem>>, vector<16xf32>,
        %mul3A_501 = arith.mulf %min3A_498, %get3A_500 : vector<16xf32>
        %get3A_502 = arith.index_cast %mul3A_490 : i32 to index
        %get3A_503 = tpu.vector_load %arg11[%get3A_502] {strides = array<i32>} : memref<2000xi32, #tpu.memory_space<vmem>>, vector<16xi32>,
        tpu.vector_store_idx %arg7[%get3A_503], %mul3A_501 {add = true} : memref<100352xf32, #tpu.memory_space<vmem>>[vector<16xi32>], vector<16xf32>,
      }
      %scan3A_278 = arith.constant 120 : i32
      %scan3A_279 = arith.addi %scan3A_274, %scan3A_278 : i32
      %mul3A_280 = arith.constant 16 : i32
      %mul3A_281 = arith.muli %scan3A_279, %mul3A_280 : i32
      %get3A_282 = arith.index_cast %mul3A_281 : i32 to index
      %get3A_283 = tpu.vector_load %arg15[%get3A_282] {strides = array<i32>} : memref<2000xf32, #tpu.memory_space<vmem>>, vector<16xf32>,
      %max3A_284 = arith.constant 0.000000e+00 : f32
      %max3A_285 = vector.broadcast %max3A_284 : f32 to vector<16xf32>
      %max3A_286 = arith.maximumf %get3A_283, %max3A_285 : vector<16xf32>
      %min3A_287 = arith.constant 1.000000e+01 : f32
      %min3A_288 = vector.broadcast %min3A_287 : f32 to vector<16xf32>
      %min3A_289 = arith.minimumf %max3A_286, %min3A_288 : vector<16xf32>
      %get3A_290 = arith.index_cast %mul3A_281 : i32 to index
      %get3A_291 = tpu.vector_load %arg13[%get3A_290] {strides = array<i32>} : memref<2000xf32, #tpu.memory_space<vmem>>, vector<16xf32>,
      %mul3A_292 = arith.mulf %min3A_289, %get3A_291 : vector<16xf32>
      %get3A_293 = arith.index_cast %mul3A_281 : i32 to index
      %get3A_294 = tpu.vector_load %arg11[%get3A_293] {strides = array<i32>} : memref<2000xi32, #tpu.memory_space<vmem>>, vector<16xi32>,
      tpu.vector_store_idx %arg7[%get3A_294], %mul3A_292 {add = true} : memref<100352xf32, #tpu.memory_space<vmem>>[vector<16xi32>], vector<16xf32>,
      %scan3A_295 = arith.constant 121 : i32
      %scan3A_296 = arith.addi %scan3A_274, %scan3A_295 : i32
      %mul3A_297 = arith.constant 16 : i32
      %mul3A_298 = arith.muli %scan3A_296, %mul3A_297 : i32
      %get3A_299 = arith.index_cast %mul3A_298 : i32 to index
      %get3A_300 = tpu.vector_load %arg15[%get3A_299] {strides = array<i32>} : memref<2000xf32, #tpu.memory_space<vmem>>, vector<16xf32>,
      %max3A_301 = arith.constant 0.000000e+00 : f32
      %max3A_302 = vector.broadcast %max3A_301 : f32 to vector<16xf32>
      %max3A_303 = arith.maximumf %get3A_300, %max3A_302 : vector<16xf32>
      %min3A_304 = arith.constant 1.000000e+01 : f32
      %min3A_305 = vector.broadcast %min3A_304 : f32 to vector<16xf32>
      %min3A_306 = arith.minimumf %max3A_303, %min3A_305 : vector<16xf32>
      %get3A_307 = arith.index_cast %mul3A_298 : i32 to index
      %get3A_308 = tpu.vector_load %arg13[%get3A_307] {strides = array<i32>} : memref<2000xf32, #tpu.memory_space<vmem>>, vector<16xf32>,
      %mul3A_309 = arith.mulf %min3A_306, %get3A_308 : vector<16xf32>
      %get3A_310 = arith.index_cast %mul3A_298 : i32 to index
      %get3A_311 = tpu.vector_load %arg11[%get3A_310] {strides = array<i32>} : memref<2000xi32, #tpu.memory_space<vmem>>, vector<16xi32>,
      tpu.vector_store_idx %arg7[%get3A_311], %mul3A_309 {add = true} : memref<100352xf32, #tpu.memory_space<vmem>>[vector<16xi32>], vector<16xf32>,
      %scan3A_312 = arith.constant 122 : i32
      %scan3A_313 = arith.addi %scan3A_274, %scan3A_312 : i32
      %mul3A_314 = arith.constant 16 : i32
      %mul3A_315 = arith.muli %scan3A_313, %mul3A_314 : i32
      %get3A_316 = arith.index_cast %mul3A_315 : i32 to index
      %get3A_317 = tpu.vector_load %arg15[%get3A_316] {strides = array<i32>} : memref<2000xf32, #tpu.memory_space<vmem>>, vector<16xf32>,
      %max3A_318 = arith.constant 0.000000e+00 : f32
      %max3A_319 = vector.broadcast %max3A_318 : f32 to vector<16xf32>
      %max3A_320 = arith.maximumf %get3A_317, %max3A_319 : vector<16xf32>
      %min3A_321 = arith.constant 1.000000e+01 : f32
      %min3A_322 = vector.broadcast %min3A_321 : f32 to vector<16xf32>
      %min3A_323 = arith.minimumf %max3A_320, %min3A_322 : vector<16xf32>
      %get3A_324 = arith.index_cast %mul3A_315 : i32 to index
      %get3A_325 = tpu.vector_load %arg13[%get3A_324] {strides = array<i32>} : memref<2000xf32, #tpu.memory_space<vmem>>, vector<16xf32>,
      %mul3A_326 = arith.mulf %min3A_323, %get3A_325 : vector<16xf32>
      %get3A_327 = arith.index_cast %mul3A_315 : i32 to index
      %get3A_328 = tpu.vector_load %arg11[%get3A_327] {strides = array<i32>} : memref<2000xi32, #tpu.memory_space<vmem>>, vector<16xi32>,
      tpu.vector_store_idx %arg7[%get3A_328], %mul3A_326 {add = true} : memref<100352xf32, #tpu.memory_space<vmem>>[vector<16xi32>], vector<16xf32>,
      %scan3A_329 = arith.constant 123 : i32
      %scan3A_330 = arith.addi %scan3A_274, %scan3A_329 : i32
      %mul3A_331 = arith.constant 16 : i32
      %mul3A_332 = arith.muli %scan3A_330, %mul3A_331 : i32
      %get3A_333 = arith.index_cast %mul3A_332 : i32 to index
      %get3A_334 = tpu.vector_load %arg15[%get3A_333] {strides = array<i32>} : memref<2000xf32, #tpu.memory_space<vmem>>, vector<16xf32>,
      %max3A_335 = arith.constant 0.000000e+00 : f32
      %max3A_336 = vector.broadcast %max3A_335 : f32 to vector<16xf32>
      %max3A_337 = arith.maximumf %get3A_334, %max3A_336 : vector<16xf32>
      %min3A_338 = arith.constant 1.000000e+01 : f32
      %min3A_339 = vector.broadcast %min3A_338 : f32 to vector<16xf32>
      %min3A_340 = arith.minimumf %max3A_337, %min3A_339 : vector<16xf32>
      %get3A_341 = arith.index_cast %mul3A_332 : i32 to index
      %get3A_342 = tpu.vector_load %arg13[%get3A_341] {strides = array<i32>} : memref<2000xf32, #tpu.memory_space<vmem>>, vector<16xf32>,
      %mul3A_343 = arith.mulf %min3A_340, %get3A_342 : vector<16xf32>
      %get3A_344 = arith.index_cast %mul3A_332 : i32 to index
      %get3A_345 = tpu.vector_load %arg11[%get3A_344] {strides = array<i32>} : memref<2000xi32, #tpu.memory_space<vmem>>, vector<16xi32>,
      tpu.vector_store_idx %arg7[%get3A_345], %mul3A_343 {add = true} : memref<100352xf32, #tpu.memory_space<vmem>>[vector<16xi32>], vector<16xf32>,
      %scan3A_346 = arith.constant 124 : i32
      %scan3A_347 = arith.addi %scan3A_274, %scan3A_346 : i32
      %mul3A_348 = arith.constant 16 : i32
      %mul3A_349 = arith.muli %scan3A_347, %mul3A_348 : i32
      %get3A_350 = arith.index_cast %mul3A_349 : i32 to index
      %get3A_351 = tpu.vector_load %arg15[%get3A_350] {strides = array<i32>} : memref<2000xf32, #tpu.memory_space<vmem>>, vector<16xf32>,
      %max3A_352 = arith.constant 0.000000e+00 : f32
      %max3A_353 = vector.broadcast %max3A_352 : f32 to vector<16xf32>
      %max3A_354 = arith.maximumf %get3A_351, %max3A_353 : vector<16xf32>
      %min3A_355 = arith.constant 1.000000e+01 : f32
      %min3A_356 = vector.broadcast %min3A_355 : f32 to vector<16xf32>
      %min3A_357 = arith.minimumf %max3A_354, %min3A_356 : vector<16xf32>
      %get3A_358 = arith.index_cast %mul3A_349 : i32 to index
      %get3A_359 = tpu.vector_load %arg13[%get3A_358] {strides = array<i32>} : memref<2000xf32, #tpu.memory_space<vmem>>, vector<16xf32>,
      %mul3A_360 = arith.mulf %min3A_357, %get3A_359 : vector<16xf32>
      %get3A_361 = arith.index_cast %mul3A_349 : i32 to index
      %get3A_362 = tpu.vector_load %arg11[%get3A_361] {strides = array<i32>} : memref<2000xi32, #tpu.memory_space<vmem>>, vector<16xi32>,
      tpu.vector_store_idx %arg7[%get3A_362], %mul3A_360 {add = true} : memref<100352xf32, #tpu.memory_space<vmem>>[vector<16xi32>], vector<16xf32>,
      %scan3A_363 = arith.constant 125 : i32
      %lt3A_364 = arith.constant 49 : i32
      %lt3A_365 = arith.cmpi slt, %scan3A_80, %lt3A_364 : i32
      %convert_element_type3A_366 = arith.extui %lt3A_365 : i1 to i32
      %cond3A_367 = arith.constant 0 : i32
      %cond3A_368 = arith.cmpi ne, %convert_element_type3A_366, %cond3A_367 : i32
      scf.if %cond3A_368 {
        %dma_wait3A_369 = arith.constant 0 : i32
        %dma_wait3A_370 = tpu.memref_slice %arg3[%dma_wait3A_369] : memref<6400000xi32, #tpu.memory_space<hbm>> -> memref<2000xi32, #tpu.memory_space<hbm>>
        %dma_wait3A_371 = arith.constant 0 : i32
        %dma_wait3A_372 = tpu.memref_slice %arg3[%dma_wait3A_371] : memref<6400000xi32, #tpu.memory_space<hbm>> -> memref<2000xi32, #tpu.memory_space<hbm>>
        tpu.wait_dma2 semaphore(%arg17 : memref<!tpu.dma_semaphore, #tpu.memory_space<semaphore_mem>>) src(%dma_wait3A_372 : memref<2000xi32, #tpu.memory_space<hbm>>) dst(%arg8 : memref<2000xi32, #tpu.memory_space<vmem>>)
        %dma_wait3A_373 = arith.constant 0 : i32
        %dma_wait3A_374 = tpu.memref_slice %arg4[%dma_wait3A_373] : memref<6400000xi32, #tpu.memory_space<hbm>> -> memref<2000xi32, #tpu.memory_space<hbm>>
        %dma_wait3A_375 = arith.constant 0 : i32
        %dma_wait3A_376 = tpu.memref_slice %arg4[%dma_wait3A_375] : memref<6400000xi32, #tpu.memory_space<hbm>> -> memref<2000xi32, #tpu.memory_space<hbm>>
        tpu.wait_dma2 semaphore(%arg17 : memref<!tpu.dma_semaphore, #tpu.memory_space<semaphore_mem>>) src(%dma_wait3A_376 : memref<2000xi32, #tpu.memory_space<hbm>>) dst(%arg10 : memref<2000xi32, #tpu.memory_space<vmem>>)
        %dma_wait3A_377 = arith.constant 0 : i32
        %dma_wait3A_378 = tpu.memref_slice %arg5[%dma_wait3A_377] : memref<6400000xf32, #tpu.memory_space<hbm>> -> memref<2000xf32, #tpu.memory_space<hbm>>
        %dma_wait3A_379 = arith.constant 0 : i32
        %dma_wait3A_380 = tpu.memref_slice %arg5[%dma_wait3A_379] : memref<6400000xf32, #tpu.memory_space<hbm>> -> memref<2000xf32, #tpu.memory_space<hbm>>
        tpu.wait_dma2 semaphore(%arg17 : memref<!tpu.dma_semaphore, #tpu.memory_space<semaphore_mem>>) src(%dma_wait3A_380 : memref<2000xf32, #tpu.memory_space<hbm>>) dst(%arg12 : memref<2000xf32, #tpu.memory_space<vmem>>)
        %dma_start3A_381 = arith.constant 0 : i32
        %dma_start3A_382 = tpu.memref_slice %arg14[%dma_start3A_381] : memref<2000xf32, #tpu.memory_space<vmem>> -> memref<400xf32, #tpu.memory_space<vmem>>
        %dma_start3A_383 = arith.constant 0 : i32
        %dma_start3A_384 = tpu.memref_slice %arg8[%dma_start3A_383] : memref<2000xi32, #tpu.memory_space<vmem>> -> memref<400xi32, #tpu.memory_space<vmem>>
        %dma_start3A_385 = arith.constant 0 : i32
        %dma_start3A_386 = tpu.memref_slice %arg16[%dma_start3A_385] : memref<100352xf32, #tpu.memory_space<vmem_shared>> -> memref<100352xf32, #tpu.memory_space<vmem_shared>>
        tpu.enqueue_indirect_dma source(%dma_start3A_386 : memref<100352xf32, #tpu.memory_space<vmem_shared>>) target(%dma_start3A_382 : memref<400xf32, #tpu.memory_space<vmem>>) offsets(%dma_start3A_384 : memref<400xi32, #tpu.memory_space<vmem>>) semaphore(%arg19 : memref<!tpu.dma_semaphore, #tpu.memory_space<semaphore_mem>>)
        %dma_start3A_387 = arith.constant 400 : i32
        %dma_start3A_388 = tpu.memref_slice %arg14[%dma_start3A_387] : memref<2000xf32, #tpu.memory_space<vmem>> -> memref<400xf32, #tpu.memory_space<vmem>>
        %dma_start3A_389 = arith.constant 400 : i32
        %dma_start3A_390 = tpu.memref_slice %arg8[%dma_start3A_389] : memref<2000xi32, #tpu.memory_space<vmem>> -> memref<400xi32, #tpu.memory_space<vmem>>
        %dma_start3A_391 = arith.constant 0 : i32
        %dma_start3A_392 = tpu.memref_slice %arg16[%dma_start3A_391] : memref<100352xf32, #tpu.memory_space<vmem_shared>> -> memref<100352xf32, #tpu.memory_space<vmem_shared>>
        tpu.enqueue_indirect_dma source(%dma_start3A_392 : memref<100352xf32, #tpu.memory_space<vmem_shared>>) target(%dma_start3A_388 : memref<400xf32, #tpu.memory_space<vmem>>) offsets(%dma_start3A_390 : memref<400xi32, #tpu.memory_space<vmem>>) semaphore(%arg19 : memref<!tpu.dma_semaphore, #tpu.memory_space<semaphore_mem>>)
        %dma_start3A_393 = arith.constant 800 : i32
        %dma_start3A_394 = tpu.memref_slice %arg14[%dma_start3A_393] : memref<2000xf32, #tpu.memory_space<vmem>> -> memref<400xf32, #tpu.memory_space<vmem>>
        %dma_start3A_395 = arith.constant 800 : i32
        %dma_start3A_396 = tpu.memref_slice %arg8[%dma_start3A_395] : memref<2000xi32, #tpu.memory_space<vmem>> -> memref<400xi32, #tpu.memory_space<vmem>>
        %dma_start3A_397 = arith.constant 0 : i32
        %dma_start3A_398 = tpu.memref_slice %arg16[%dma_start3A_397] : memref<100352xf32, #tpu.memory_space<vmem_shared>> -> memref<100352xf32, #tpu.memory_space<vmem_shared>>
        tpu.enqueue_indirect_dma source(%dma_start3A_398 : memref<100352xf32, #tpu.memory_space<vmem_shared>>) target(%dma_start3A_394 : memref<400xf32, #tpu.memory_space<vmem>>) offsets(%dma_start3A_396 : memref<400xi32, #tpu.memory_space<vmem>>) semaphore(%arg19 : memref<!tpu.dma_semaphore, #tpu.memory_space<semaphore_mem>>)
        %dma_start3A_399 = arith.constant 1200 : i32
        %dma_start3A_400 = tpu.memref_slice %arg14[%dma_start3A_399] : memref<2000xf32, #tpu.memory_space<vmem>> -> memref<400xf32, #tpu.memory_space<vmem>>
        %dma_start3A_401 = arith.constant 1200 : i32
        %dma_start3A_402 = tpu.memref_slice %arg8[%dma_start3A_401] : memref<2000xi32, #tpu.memory_space<vmem>> -> memref<400xi32, #tpu.memory_space<vmem>>
        %dma_start3A_403 = arith.constant 0 : i32
        %dma_start3A_404 = tpu.memref_slice %arg16[%dma_start3A_403] : memref<100352xf32, #tpu.memory_space<vmem_shared>> -> memref<100352xf32, #tpu.memory_space<vmem_shared>>
        tpu.enqueue_indirect_dma source(%dma_start3A_404 : memref<100352xf32, #tpu.memory_space<vmem_shared>>) target(%dma_start3A_400 : memref<400xf32, #tpu.memory_space<vmem>>) offsets(%dma_start3A_402 : memref<400xi32, #tpu.memory_space<vmem>>) semaphore(%arg19 : memref<!tpu.dma_semaphore, #tpu.memory_space<semaphore_mem>>)
        %dma_start3A_405 = arith.constant 1600 : i32
        %dma_start3A_406 = tpu.memref_slice %arg14[%dma_start3A_405] : memref<2000xf32, #tpu.memory_space<vmem>> -> memref<400xf32, #tpu.memory_space<vmem>>
        %dma_start3A_407 = arith.constant 1600 : i32
        %dma_start3A_408 = tpu.memref_slice %arg8[%dma_start3A_407] : memref<2000xi32, #tpu.memory_space<vmem>> -> memref<400xi32, #tpu.memory_space<vmem>>
        %dma_start3A_409 = arith.constant 0 : i32
        %dma_start3A_410 = tpu.memref_slice %arg16[%dma_start3A_409] : memref<100352xf32, #tpu.memory_space<vmem_shared>> -> memref<100352xf32, #tpu.memory_space<vmem_shared>>
        tpu.enqueue_indirect_dma source(%dma_start3A_410 : memref<100352xf32, #tpu.memory_space<vmem_shared>>) target(%dma_start3A_406 : memref<400xf32, #tpu.memory_space<vmem>>) offsets(%dma_start3A_408 : memref<400xi32, #tpu.memory_space<vmem>>) semaphore(%arg19 : memref<!tpu.dma_semaphore, #tpu.memory_space<semaphore_mem>>)
        %mul3A_411 = arith.constant 2 : i32
        %mul3A_412 = arith.muli %mul3A_411, %scan3A_80 : i32
        %add3A_413 = arith.constant 3 : i32
        %add3A_414 = arith.addi %mul3A_412, %add3A_413 : i32
        %mul3A_415 = arith.constant 2000 : i32
        %mul3A_416 = arith.muli %add3A_414, %mul3A_415 : i32
        %add3A_417 = arith.addi %mul3A_4, %mul3A_416 : i32
        %dma_start3A_418 = tpu.memref_slice %arg3[%add3A_417] : memref<6400000xi32, #tpu.memory_space<hbm>> -> memref<2000xi32, #tpu.memory_space<hbm>>
        %dma_start3A_419 = tpu.memref_slice %arg3[%add3A_417] : memref<6400000xi32, #tpu.memory_space<hbm>> -> memref<2000xi32, #tpu.memory_space<hbm>>
        tpu.enqueue_dma source(%dma_start3A_419 : memref<2000xi32, #tpu.memory_space<hbm>>) target(%arg9 : memref<2000xi32, #tpu.memory_space<vmem>>) target_semaphore(%arg18 : memref<!tpu.dma_semaphore, #tpu.memory_space<semaphore_mem>>)
        %dma_start3A_420 = tpu.memref_slice %arg4[%add3A_417] : memref<6400000xi32, #tpu.memory_space<hbm>> -> memref<2000xi32, #tpu.memory_space<hbm>>
        %dma_start3A_421 = tpu.memref_slice %arg4[%add3A_417] : memref<6400000xi32, #tpu.memory_space<hbm>> -> memref<2000xi32, #tpu.memory_space<hbm>>
        tpu.enqueue_dma source(%dma_start3A_421 : memref<2000xi32, #tpu.memory_space<hbm>>) target(%arg11 : memref<2000xi32, #tpu.memory_space<vmem>>) target_semaphore(%arg18 : memref<!tpu.dma_semaphore, #tpu.memory_space<semaphore_mem>>)
        %dma_start3A_422 = tpu.memref_slice %arg5[%add3A_417] : memref<6400000xf32, #tpu.memory_space<hbm>> -> memref<2000xf32, #tpu.memory_space<hbm>>
        %dma_start3A_423 = tpu.memref_slice %arg5[%add3A_417] : memref<6400000xf32, #tpu.memory_space<hbm>> -> memref<2000xf32, #tpu.memory_space<hbm>>
        tpu.enqueue_dma source(%dma_start3A_423 : memref<2000xf32, #tpu.memory_space<hbm>>) target(%arg13 : memref<2000xf32, #tpu.memory_space<vmem>>) target_semaphore(%arg18 : memref<!tpu.dma_semaphore, #tpu.memory_space<semaphore_mem>>)
      } else {
      }
    }
    %scan3A_71 = arith.constant 50 : i32
    %mul3A_72 = arith.constant 100352 : i32
    %mul3A_73 = arith.muli %add3A, %mul3A_72 : i32
    %dma_start3A_74 = tpu.memref_slice %arg6[%mul3A_73] : memref<3211264xf32, #tpu.memory_space<hbm>> -> memref<100352xf32, #tpu.memory_space<hbm>>
    %dma_start3A_75 = tpu.memref_slice %arg6[%mul3A_73] : memref<3211264xf32, #tpu.memory_space<hbm>> -> memref<100352xf32, #tpu.memory_space<hbm>>
    tpu.enqueue_dma source(%arg7 : memref<100352xf32, #tpu.memory_space<vmem>>) target(%dma_start3A_75 : memref<100352xf32, #tpu.memory_space<hbm>>) target_semaphore(%arg21 : memref<!tpu.dma_semaphore, #tpu.memory_space<semaphore_mem>>)
    %mul3A_76 = arith.constant 100352 : i32
    %mul3A_77 = arith.muli %add3A, %mul3A_76 : i32
    %dma_wait3A_78 = tpu.memref_slice %arg6[%mul3A_77] : memref<3211264xf32, #tpu.memory_space<hbm>> -> memref<100352xf32, #tpu.memory_space<hbm>>
    %dma_wait3A_79 = tpu.memref_slice %arg6[%mul3A_77] : memref<3211264xf32, #tpu.memory_space<hbm>> -> memref<100352xf32, #tpu.memory_space<hbm>>
    tpu.wait_dma2 semaphore(%arg21 : memref<!tpu.dma_semaphore, #tpu.memory_space<semaphore_mem>>) src(%arg7 : memref<100352xf32, #tpu.memory_space<vmem>>) dst(%dma_wait3A_79 : memref<100352xf32, #tpu.memory_space<hbm>>)
    return
  }
}

module attributes {stable_mosaic.version = 14 : i64} {
  func.func @_combine_body(%arg0: memref<32x784x128xf32, #tpu.memory_space<vmem>>, %arg1: memref<784x128xf32, #tpu.memory_space<vmem>>, %arg2: memref<784x128xf32, #tpu.memory_space<vmem>>, %arg3: memref<784x128xf32, #tpu.memory_space<vmem>>, %arg4: memref<784x128xf32, #tpu.memory_space<vmem>>, %arg5: memref<784x128xf32, #tpu.memory_space<vmem>>) attributes {dimension_semantics = [], scalar_prefetch = 0 : i64, scratch_operands = 0 : i64, tpu.core_type = #tpu.core_type<tc>} {
    %get3A = arith.constant 0 : index
    %get3A_0 = arith.constant 0 : index
    %get3A_1 = arith.constant 0 : index
    %get3A_2 = vector.load %arg0[%get3A, %get3A_0, %get3A_1] : memref<32x784x128xf32, #tpu.memory_space<vmem>>, vector<32x784x128xf32>
    %reduce_sum3A = arith.constant dense<0.000000e+00> : vector<784x128xf32>
    %reduce_sum3A_3 = vector.multi_reduction <add>, %get3A_2, %reduce_sum3A [0] : vector<32x784x128xf32> to vector<784x128xf32>
    %get3A_4 = arith.constant 0 : index
    %get3A_5 = arith.constant 0 : index
    %get3A_6 = vector.load %arg1[%get3A_4, %get3A_5] : memref<784x128xf32, #tpu.memory_space<vmem>>, vector<784x128xf32>
    %jit3A = arith.constant -1.000000e+01 : f32
    %jit3A_7 = arith.constant 1.000000e+01 : f32
    %max3A = vector.broadcast %jit3A : f32 to vector<784x128xf32>
    %max3A_8 = arith.maximumf %max3A, %get3A_6 : vector<784x128xf32>
    %min3A = vector.broadcast %jit3A_7 : f32 to vector<784x128xf32>
    %min3A_9 = arith.minimumf %min3A, %max3A_8 : vector<784x128xf32>
    %get3A_10 = arith.constant 0 : index
    %get3A_11 = arith.constant 0 : index
    %get3A_12 = vector.load %arg3[%get3A_10, %get3A_11] : memref<784x128xf32, #tpu.memory_space<vmem>>, vector<784x128xf32>
    %add3A = arith.addf %reduce_sum3A_3, %get3A_12 : vector<784x128xf32>
    %get3A_13 = arith.constant 0 : index
    %get3A_14 = arith.constant 0 : index
    %get3A_15 = vector.load %arg4[%get3A_13, %get3A_14] : memref<784x128xf32, #tpu.memory_space<vmem>>, vector<784x128xf32>
    %add3A_16 = arith.addf %add3A, %get3A_15 : vector<784x128xf32>
    %sub3A = arith.subf %add3A_16, %min3A_9 : vector<784x128xf32>
    %get3A_17 = arith.constant 0 : index
    %get3A_18 = arith.constant 0 : index
    %get3A_19 = vector.load %arg2[%get3A_17, %get3A_18] : memref<784x128xf32, #tpu.memory_space<vmem>>, vector<784x128xf32>
    %div3A = arith.divf %sub3A, %get3A_19 : vector<784x128xf32>
    %swap3A = arith.constant 0 : index
    %swap3A_20 = arith.constant 0 : index
    %swap3A_21 = vector.load %arg5[%swap3A, %swap3A_20] : memref<784x128xf32, #tpu.memory_space<vmem>>, vector<784x128xf32>
    tpu.vector_store %arg5[%swap3A, %swap3A_20], %div3A {strides = array<i32>} : memref<784x128xf32, #tpu.memory_space<vmem>>, vector<784x128xf32>,
    return
  }
}

</mosaic_0001>

<sc_bundles>
// kernel: kernel.4.cloned.1.call-start
scs
__scs_entry_jumppad:
0x0: {  	(pc) =	sbr.rel $0x88, $3  }
0x1: {  	(tag) =	ssettag $0x0;
	lr =	simm.s32 $0x1  }
0x2: {  	[smem:$0x3F9B] =	sst lr;
	_ =	strace $0xD0000000  }
0x3: {  	_ = 	snop  }
0x4: {  	_ = 	snop  }
0x5: {  	_ = 	snop  }
0x6: {  	_ = 	snop  }
0x7: {  	_ = 	snop  }
__scs_overlays_trampoline_lowered:
0x8: {  	[smem:$0x3FAA] =	sst s0  }
0x9: {  	[smem:$0x3FAB] =	sst s1  }
0xa: {  	[smem:$0x3FAC] =	sst s2  }
0xb: {  	[smem:$0x3FAD] =	sst s3  }
0xc: {  	[smem:$0x3FAE] =	sst s4  }
0xd: {  	[smem:$0x3FAF] =	sst s5  }
0xe: {  	[smem:$0x3FB0] =	sst s6  }
0xf: {  	[smem:$0x3FB1] =	sst s7  }
0x10: {  	[smem:$0x3FB2] =	sst s8  }
0x11: {  	[smem:$0x3FB3] =	sst s9;
	s0 =	simm.s32 @!p0 $0x0  }
0x12: {  	s1 =	sld [smem:$0x3F99];
	s0 =	simm.s32 @p0 $0x1  }
0x13: {  	[smem:$0x3FB4] =	sst s0;
	s0 =	simm.s32 @!p1 $0x0  }
0x14: {  	s2 =	sld [smem:$0x3F98];
	s0 =	simm.s32 @p1 $0x1  }
0x15: {  	[smem:$0x3FB5] =	sst s0;
	s0 =	simm.s32 @!p2 $0x0  }
0x16: {  	s3 =	sld [smem:$0x3FDB];
	s0 =	simm.s32 @p2 $0x1  }
0x17: {  	s4 =	simm.s32 $0x1BF5;
	[smem:$0x3FB7] =	sst s0  }
0x18: {  	s0 =	sld [smem:$0x3F9A];
	_ =	swait.ge [sflag:s4], $0x0  }
0x19: {  	s7 =	sld [smem:$0x3F9B]  }
0x1a: {  	s8 =	sadd.s32 $0xFFFFE003, lr  }
0x1b: {  	s9 =	sadd.s32 $0xFFFFFEF7, lr;
	s5 =	simm.s32 $0xFFFFFFFF;
	p2 =	slt.u32 s8, $0xFFFFF086  }
0x1c: {  	p1 =	slt.u32 s9, $0xF7A;
	s5 =	simm.s32 @!p2 $0x0  }
0x1d: {  	s5 =	simm.s32 @p1 $0x1;
	p0 =	seq.s32 s7, s2  }
0x1e: {  	s7 =	smul.u32 @!p0 $0xF7A, s2;
	p2 =	seq.s32 @!p0 s5, $0x0  }
0x1f: {  	s9 =	smul.u32 $0xF7A, s1;
	s8 =	simm.s32 @!p0 $0x1BF5;
	p2 =	por !p2, p0  }
0x20: {  	[sflag:s8] =	ssyncset.s32 @!p0 $0xFFFFF086;
	s6 =	sadd.s32 @!p0 s3, s7;
	s7 =	simm.s32 @!p0 $0x108  }
0x21: {  	s3 =	sadd.s32 s3, s9;
	s6 =	sadd.s32 @!p0 $0x88, s6;
	s7 =	simm.s32 @p2 $0x1082  }
0x22: {  	[simem:s7], [sflag:s8] =	dma.local @!p0 [hbm:s6], $0xF7A  }
0x23: {  	s9 =	sor.u32 $0xD0000000, s2;
	s6 =	simm.s32 $0x108;
	_ =	swait.ge @!p0 [sflag:s8], $0x0  }
0x24: {  	s3 =	sadd.s32 $0x88, s3;
	s6 =	simm.s32 @!p1 $0x1082;
	[sflag:s4] =	ssyncset.s32 $0xFFFFF086  }
0x25: {  	[simem:s6], [sflag:s4] =	dma.local [hbm:s3], $0xF7A  }
0x26: {  	[smem:$0x3F9B] =	sst s1;
	(tag) =	ssettag s2;
	_ =	strace s9  }
0x27: {  	s1 =	sld [smem:$0x3FAB]  }
0x28: {  	s2 =	sld [smem:$0x3FAC]  }
0x29: {  	s4 =	sld [smem:$0x3FAE]  }
0x2a: {  	p0 =	seq.s32 s5, $0x0;
	s5 =	sld [smem:$0x3FAF]  }
0x2b: {  	s6 =	sld [smem:$0x3FB0]  }
0x2c: {  	s7 =	sld [smem:$0x3FB1]  }
0x2d: {  	s3 =	simm.s32 $0x108;
	s8 =	sld [smem:$0x3FB2]  }
0x2e: {  	s3 =	simm.s32 @!p0 $0x1082;
	s9 =	sld [smem:$0x3FB3]  }
0x2f: {  	lr =	sadd.s32 s0, s3;
	s0 =	sld [smem:$0x3FAA]  }
0x30: {  	s3 =	sld [smem:$0x3FAD]  }
0x31: {  	[smem:$0x3FB6] =	sst s10  }
0x32: {  	s10 =	sld [smem:$0x3FB4];
	_ =	sdelay $0x3  }
0x33: {  	p0 =	seq.s32 s10, $0x1;
	s10 =	sld [smem:$0x3FB6];
	_ =	sdelay $0x3  }
0x34: {  	[smem:$0x3FB6] =	sst s10  }
0x35: {  	s10 =	sld [smem:$0x3FB5];
	_ =	sdelay $0x3  }
0x36: {  	p1 =	seq.s32 s10, $0x1;
	s10 =	sld [smem:$0x3FB6];
	_ =	sdelay $0x3  }
0x37: {  	[smem:$0x3FB6] =	sst s10  }
0x38: {  	s10 =	sld [smem:$0x3FB7]  }
0x39: {  	_ = 	snop;
	(pc) =	sbr.ind lr, $3  }
0x3a: {  	_ = 	snop  }
0x3b: {  	_ = 	snop  }
0x3c: {  	p2 =	seq.s32 s10, $0x1;
	s10 =	sld [smem:$0x3FB6]  }
0x3d: {  	_ =	shalt  }
0x3e: {  	_ =	shalt  }
0x3f: {  	_ =	shalt  }
0x40: {  	_ =	shalt  }
0x41: {  	_ =	shalt  }
0x42: {  	_ =	shalt  }
0x43: {  	_ =	shalt  }
0x44: {  	_ =	shalt  }
0x45: {  	_ =	shalt  }
0x46: {  	_ =	shalt  }
0x47: {  	_ =	shalt  }
0x48: {  	_ =	shalt  }
0x49: {  	_ =	shalt  }
0x4a: {  	_ =	shalt  }
0x4b: {  	_ =	shalt  }
0x4c: {  	_ =	shalt  }
0x4d: {  	_ =	shalt  }
0x4e: {  	_ =	shalt  }
0x4f: {  	_ =	shalt  }
0x50: {  	_ =	shalt  }
0x51: {  	_ =	shalt  }
0x52: {  	_ =	shalt  }
0x53: {  	_ =	shalt  }
0x54: {  	_ =	shalt  }
0x55: {  	_ =	shalt  }
0x56: {  	_ =	shalt  }
0x57: {  	_ =	shalt  }
0x58: {  	_ =	shalt  }
0x59: {  	_ =	shalt  }
0x5a: {  	_ =	shalt  }
0x5b: {  	_ =	shalt  }
0x5c: {  	_ =	shalt  }
0x5d: {  	_ =	shalt  }
0x5e: {  	_ =	shalt  }
0x5f: {  	_ =	shalt  }
0x60: {  	_ =	shalt  }
0x61: {  	_ =	shalt  }
0x62: {  	_ =	shalt  }
0x63: {  	_ =	shalt  }
0x64: {  	_ =	shalt  }
0x65: {  	_ =	shalt  }
0x66: {  	_ =	shalt  }
0x67: {  	_ =	shalt  }
0x68: {  	_ =	shalt  }
0x69: {  	_ =	shalt  }
0x6a: {  	_ =	shalt  }
0x6b: {  	_ =	shalt  }
0x6c: {  	_ =	shalt  }
0x6d: {  	_ =	shalt  }
0x6e: {  	_ =	shalt  }
0x6f: {  	_ =	shalt  }
0x70: {  	_ =	shalt  }
0x71: {  	_ =	shalt  }
0x72: {  	_ =	shalt  }
0x73: {  	_ =	shalt  }
0x74: {  	_ =	shalt  }
0x75: {  	_ =	shalt  }
0x76: {  	_ =	shalt  }
0x77: {  	_ =	shalt  }
0x78: {  	_ =	shalt  }
0x79: {  	_ =	shalt  }
0x7a: {  	_ =	shalt  }
0x7b: {  	_ =	shalt  }
0x7c: {  	_ =	shalt  }
0x7d: {  	_ =	shalt  }
0x7e: {  	_ =	shalt  }
0x7f: {  	_ =	shalt  }
0x80: {  	_ =	shalt  }
0x81: {  	_ =	shalt  }
0x82: {  	_ =	shalt  }
0x83: {  	_ =	shalt  }
0x84: {  	_ =	shalt  }
0x85: {  	_ =	shalt  }
0x86: {  	_ =	shalt  }
0x87: {  	_ =	shalt  }
.Lfunc_end0:
.L_simem_size_0:
called_computation_lowered:
.L_overlay_start_0:
0x88: {  	s2 =	sld [smem:$0x3FD9]  }
0x89: {  	s3 =	sld [smem:$0x3FFE];
	_ =	sdelay $0x1  }
0x8a: {  	s1 =	srdreg.scid  }
0x8b: {  	s0 =	sand.u32 $0x1, s1  }
0x8c: {  	s17 =	sshll.u32 s0, $0xA;
	s2 =	sadd.s32 s3, s2  }
0x8d: {  	s2 =	sadd.s32 s2, s17  }
0x8e: {  	[smem:$0x3FC2] =	sst s2  }
0x8f: {  	_ = 	snop  }
0x90: {  	s2 =	sld [smem:$0x3FC7]  }
0x91: {  	s18 =	sld [smem:$0x3FD0];
	(tm) =	ssettm $0x1  }
0x92: {  	s4 =	sld [smem:$0x3FFB];
	_ =	sdelay $0x3  }
0x93: {  	_ =	strace s4  }
0x94: {  	s4 =	sld [smem:$0x3FFC];
	_ =	sdelay $0x3  }
0x95: {  	_ =	strace s4  }
0x96: {  	s4 =	sld [smem:$0x3FFD];
	_ =	sdelay $0x3  }
0x97: {  	_ =	strace s4  }
0x98: {  	_ =	strace $0x8FFFFFFF  }
0x99: {  	s19 =	sld [smem:$0x3FDB];
	_ =	sdelay $0x1  }
0x9a: {  	s5 =	simm.s32 $_scs_section_size  }
0x9b: {  	s6 =	simm.s32 $_size__tile_overlayer_lowered;
	s7 =	simm.s32 $_tile_overlayer_lowered  }
0x9c: {  	s22 =	simm.s32 $0x1BFF;
	s21 =	sshll.u32 s7, $0x1;
	s4 =	sadd.s32 s5, s19  }
0x9d: {  	s8 =	simm.s32 $0x0;
	s20 =	sshll.u32 s6, $0x1;
	s6 =	sadd.s32 s21, s4  }
0x9e: {  	[timem:s8], [sflag:s22] =	dma.local [hbm:s6], s20  }
0x9f: {  	_ =	swait.ge [sflag:s22], s20  }
0xa0: {  	s5 =	ssub.s32 $0x0, s20;
	[sflag:s22] =	ssyncset.done $0x0  }
0xa1: {  	[sflag:s22] =	ssyncadd.s32 s5;
	_ =	sdelay $0x1  }
0xa2: {  	s23 =	simm.s32 $0x1B8B  }
0xa3: {  	_ =	swait.ge [sflag:s23], $0x1  }
0xa4: {  	[sflag:s23] =	ssyncset.done $0x0  }
0xa5: {  	s25 =	simm.s32 $0x1B8E;
	s24 =	sld [smem:$0x3FFE];
	[sflag:s23] =	ssyncadd.s32 $0xFFFFFFFF  }
0xa6: {  	s26 =	simm.s32 $execute0_lowered;
	[smem:$0x3FD2] =	sst s25  }
0xa7: {  	s6 =	sshll.u32 s26, $0x1;
	_ =	strace $0x80000046;
	[dreg:$0x1] =	wrdreg $0xFFFFFFFF  }
0xa8: {  	s28 =	simm.s32 $_size_execute0_lowered;
	s4 =	sadd.s32 s4, s6;
	[dreg:$0x0] =	wrdreg $0x0  }
0xa9: {  	s6 =	sshll.u32 s28, $0x1;
	[dreg:$0x2] =	wrdreg s4  }
0xaa: {  	[dreg:$0x3] =	wrdreg s6  }
0xab: {  	[dreg:$0x4] =	wrdreg $0xC0  }
0xac: {  	_ =	task [dreg:s8], $0x5FFFF  }
0xad: {  	[dreg:$0x1] =	wrdreg $0xFFFFFFFF  }
0xae: {  	[dreg:$0x0] =	wrdreg $0x60  }
0xaf: {  	[dreg:$0x2] =	wrdreg s18  }
0xb0: {  	[dreg:$0x3] =	wrdreg s24  }
0xb1: {  	[dreg:$0x4] =	wrdreg s2  }
0xb2: {  	[dreg:$0x5] =	wrdreg $0x1C8000  }
0xb3: {  	[dreg:$0x6] =	wrdreg $0x9  }
0xb4: {  	_ =	task.clear_ibuf [dreg:s8], $0x7FFFF;
	_ =	strace $0x90000046  }
0xb5: {  	s29 =	simm.s32 $0x9;
	_ =	strace $0x80000048  }
0xb6: {  	_ =	swait.ge [sflag:s29], $0x1  }
0xb7: {  	[sflag:s29] =	ssyncadd.s32 $0xFFFFFFFF  }
0xb8: {  	_ =	strace $0x90000048  }
0xb9: {  	_ =	sfence  }
0xba: {  	s30 =	sld [smem:$0x0];
	_ =	sdelay $0x2  }
0xbb: {  	s31 =	sshll.u32 s1, $0xD;
	s1 =	sshrl.u32 s1, $0x2  }
0xbc: {  	s3 =	sand.u32 $0x4000, s31;
	s1 =	sadd.s32 s1, s30  }
0xbd: {  	s0 =	sor.u32 s3, s0;
	s1 =	sshll.u32 s1, $0x11  }
0xbe: {  	s0 =	sor.u32 s1, s0  }
0xbf: {  	s0 =	sadd.s32 $0x8F2B, s0  }
0xc0: {  	[sflag:s0] =	ssyncadd.remote.s32 $0x1  }
0xc1: {  	_ =	sfence.sel $0xFFFF  }
0xc2: {  	[dreg:$0x0] =	wrdreg $0xFFFFFFFF;
	(pc) =	sbr.abs _section_cstart, $3  }
0xc3: {  	[dreg:$0x1] =	wrdreg $0xFFFFFFFF  }
0xc4: {  	_ =	task.clear_ibuf [dreg:s8], $0x2FFFF;
	_ =	strace $0x9FFFFFFF  }
0xc5: {  	(tm) =	ssettm $0x7FFFFFFF  }
tec
execute0_lowered:
.L_overlay_start_1:
0x0: {  	(tag) =	ssettag $0x1  }
0x1: {  	s0 =	rddreg [dreg:$0x0]  }
0x2: {  	s3 =	rddreg [dreg:$0x1]  }
0x3: {  	s1 =	rddreg [dreg:$0x2]  }
0x4: {  	s2 =	rddreg [dreg:$0x3];
	s4 =	srdreg.scid  }
0x5: {  	s11 =	stileid.u32;
	s12 =	simm.s32 $0x1C000;
	s13 =	simm.s32 $0x19190  }
0x6: {  	s14 =	simm.s32 $0x1C190;
	s28 =	simm.s32 $0x1C640;
	s29 =	simm.s32 $0x4  }
0x7: {  	s7 =	sand.u32 $0x1, s4;
	s4 =	simm.s32 $0x0;
	s6 =	sadd.s32 $0x1400, s3  }
0x8: {  	s10 =	smul.u32 $0x1880, s11;
	s19 =	sshll.u32 s11, $0x6;
	s5 =	sshll.u32 s7, $0x4  }
0x9: {  	[smem:$0x7FF] =	sst s4;
	s7 =	ssub.s32 $0x2, s7;
	s8 =	sor.u32 s11, s5  }
0xa: {  	_ =	strace $0x80000047;
	s5 =	sadd.s32 $0xC4A00, s3;
	s17 =	sshrl.u32 s7, $0x1  }
0xb: {  	s18 =	sadd.s32 s10, s2;
	s10 =	sshrl.u32 s10, $0x3;
	s9 =	smul.u32 $0x3100, s8  }
0xc: {  	s11 =	simm.s32 $0x2;
	s8 =	smul.u32 $0x30D40, s8;
	s7 =	ssub.s32 s7, s17  }
0xd: {  	s0 =	sadd.s32 s0, s10;
	s31 =	sshrl.u32 s18, $0x3;
	s17 =	simm.s32 $0x19320  }
0xe: {  	s18 =	simm.s32 $0x1C320;
	[dreg:$0x5] =	wrdreg s0;
	s0 =	sor.u32 $0x1C06, s19  }
0xf: {  	s30 =	smax.u32 s7, $0x1;
	[dreg:$0xf] =	wrdreg s31;
	s7 =	simm.s32 $0x19000  }
0x10: {  	s19 =	simm.s32 $0x194B0;
	s3 =	sadd.s32 s9, s3;
	s20 =	sshrl.u32 s8, $0x3  }
0x11: {  	[dreg:$0x6] =	wrdreg s0;
	s15 =	sadd.s32 $0xFA0, s8;
	s16 =	sadd.s32 $0x1770, s8  }
0x12: {  	[dreg:$0xe] =	wrdreg s30;
	s8 =	simm.s32 $0x1A000;
	s21 =	sadd.s32 s5, s20  }
0x13: {  	s9 =	simm.s32 $0x1B000;
	s23 =	sadd.s32 s6, s20;
	[dreg:$0x7] =	wrdreg s21  }
0x14: {  	s22 =	sadd.s32 $0xFA, s20;
	s10 =	sadd.s32 s1, s20;
	[dreg:$0x8] =	wrdreg s23  }
0x15: {  	s26 =	sadd.s32 $0x188000, s3;
	s20 =	simm.s32 $0x1C4B0;
	[dreg:$0x9] =	wrdreg s10  }
.Ltmp0:
0x16: {  	s24 =	sadd.s32 s5, s22;
	s25 =	sadd.s32 s6, s22;
	(pc) =	sbr.rel .LBB2_1-.Ltmp0, $4  }
0x17: {  	s0 =	sadd.s32 s1, s22;
	[dreg:$0xd] =	wrdreg s26;
	s21 =	simm.s32 $0x18800  }
0x18: {  	s23 =	simm.s32 $0x1BE40;
	s10 =	simm.s32 $0x3;
	[dreg:$0xa] =	wrdreg s24  }
0x19: {  	s26 =	simm.s32 $0x19640;
	s22 =	simm.s32 $0x0;
	[dreg:$0xb] =	wrdreg s25  }
0x1a: {  	v0 =	vimm.f32 $0.0e+00;
	[dreg:$0xc] =	wrdreg s0;
	s24 =	simm.s32 $0x1;
	s25 =	simm.s32 $0x190  }
.LBB2_10:
0x1b: {  	s0 =	rddreg [dreg:$0xd];
	s3 =	simm.s32 $0x5  }
0x1c: {  	[hbm4b:s0+s4] =	stream.linear.scatter [tilespmem:s4], [sflag:$0x5], $0x18800, $0x38;
	[tilespmem:$0x1E080] =	vst v63  }
0x1d: {  	_ =	swait.ge [sflag:s3], $0x18800  }
0x1e: {  	s22 =	rddreg [dreg:$0x10]  }
0x1f: {  	s31 =	rddreg [dreg:$0xe];
	s22 =	sadd.s32 $0x1, s22  }
0x20: {  	p0 =	sne.s32 s22, s31  }
.Ltmp1:
0x21: {  	_ = 	snop;
	(pc) =	sbr.rel @!p0 .LBB2_11-.Ltmp1, $3  }
0x22: {  	_ =	sdelay $0x1  }
0x23: {  	[sflag:s3] =	ssyncset.done $0x0  }
0x24: {  	[sflag:s3] =	ssyncadd.s32 $0xFFFE7800  }
.LBB2_1:
0x25: {  	s0 =	simm.s32 $0x40  }
0x26: {  	[tilespmem:s0+$0xFFFFFFC0] =	vst v0  }
0x27: {  	[tilespmem:s0+$0x30] =	vst v0  }
0x28: {  	[tilespmem:s0+$0x20] =	vst v0  }
0x29: {  	[tilespmem:s0+$0x10] =	vst v0  }
0x2a: {  	[tilespmem:s0+$0x0] =	vst v0  }
0x2b: {  	[tilespmem:s0+$0xFFFFFFF0] =	vst v0  }
0x2c: {  	[dreg:$0x10] =	wrdreg s22;
	s3 =	simm.s32 $0x0;
	[tilespmem:s0+$0xFFFFFFE0] =	vst v0  }
.LBB2_2:
0x2d: {  	s3 =	sadd.s32 $0x8, s3;
	[tilespmem:s0+$0xFFFFFFD0] =	vst v0;
	s0 =	sadd.s32 $0x80, s0  }
0x2e: {  	[tilespmem:s0+$0xFFFFFFC0] =	vst v0;
	p0 =	slt.u32 s3, $0x1878  }
0x2f: {  	[tilespmem:s0+$0x30] =	vst v0  }
.Ltmp2:
0x30: {  	[tilespmem:s0+$0x20] =	vst v0;
	(pc) =	sbr.rel @p0 .LBB2_2-.Ltmp2, $4  }
0x31: {  	[tilespmem:s0+$0x10] =	vst v0  }
0x32: {  	[tilespmem:s0+$0x0] =	vst v0  }
0x33: {  	[tilespmem:s0+$0xFFFFFFF0] =	vst v0  }
0x34: {  	[tilespmem:s0+$0xFFFFFFE0] =	vst v0  }
0x35: {  	s31 =	rddreg [dreg:$0x5]  }
0x36: {  	s3 =	rddreg [dreg:$0x6]  }
0x37: {  	[tilespmem:s0+$0xFFFFFFD0] =	vst v0;
	s22 =	rddreg [dreg:$0xf]  }
0x38: {  	[spmem:s22], [sflag:s3] =	dma.local [hbm:s31], $0x310  }
0x39: {  	s31 =	simm.s32 $0x6  }
0x3a: {  	_ =	swait.ge [sflag:s31], $0x310  }
0x3b: {  	[sflag:s31] =	ssyncset.done $0x0  }
0x3c: {  	s30 =	simm.s32 $0x0;
	s3 =	rddreg [dreg:$0x7];
	[sflag:s31] =	ssyncadd.s32 $0xFFFFFCF0  }
0x3d: {  	[tilespmem:s21], [sflag:$0x1] =	stream.linear.gather [hbm4b:s3+s30], $0x7D0, $0x38;
	[tilespmem:$0x1E080] =	vst v63  }
0x3e: {  	s22 =	rddreg [dreg:$0x8];
	s31 =	simm.s32 $0x19800  }
0x3f: {  	[tilespmem:s31], [sflag:$0x1] =	stream.linear.gather [hbm4b:s22+s30], $0x7D0, $0x38;
	[tilespmem:$0x1E080] =	vst v63  }
0x40: {  	s22 =	rddreg [dreg:$0x9];
	s31 =	simm.s32 $0x1A800  }
0x41: {  	[tilespmem:s31], [sflag:$0x1] =	stream.linear.gather [hbm4b:s22+s30], $0x7D0, $0x38;
	[tilespmem:$0x1E080] =	vst v63  }
0x42: {  	_ =	swait.ge [sflag:s24], $0x7D0  }
0x43: {  	[sflag:s24] =	ssyncset.done $0x0  }
0x44: {  	[sflag:s24] =	ssyncadd.s32 $0xFFFFF830  }
0x45: {  	_ =	swait.ge [sflag:s24], $0x7D0  }
0x46: {  	[sflag:s24] =	ssyncset.done $0x0  }
0x47: {  	[sflag:s24] =	ssyncadd.s32 $0xFFFFF830  }
0x48: {  	_ =	swait.ge [sflag:s24], $0x7D0  }
0x49: {  	[sflag:s24] =	ssyncset.done $0x0  }
0x4a: {  	[sflag:s24] =	ssyncadd.s32 $0xFFFFF830  }
0x4b: {  	s3 =	simm.s32 $0x1B800;
	[bflag:$0x0] =	sbarrier.arrive $0xFFFF  }
0x4c: {  	[tilespmem:s3], [sflag:$0x3] =	stream.indirect.gather [spmem:s2], $0x1, s21, s25, $0xb8;
	[tilespmem:$0x1E080] =	vst v63  }
0x4d: {  	s22 =	simm.s32 $0x18990;
	s31 =	simm.s32 $0x1B990  }
0x4e: {  	[tilespmem:s31], [sflag:$0x3] =	stream.indirect.gather [spmem:s2], $0x1, s22, s25, $0xb8;
	[tilespmem:$0x1E080] =	vst v63  }
0x4f: {  	s22 =	simm.s32 $0x18B20;
	s31 =	simm.s32 $0x1BB20  }
0x50: {  	[tilespmem:s31], [sflag:$0x3] =	stream.indirect.gather [spmem:s2], $0x1, s22, s25, $0xb8;
	[tilespmem:$0x1E080] =	vst v63  }
0x51: {  	s3 =	simm.s32 $0x18CB0;
	s22 =	simm.s32 $0x1BCB0  }
0x52: {  	[tilespmem:s22], [sflag:$0x3] =	stream.indirect.gather [spmem:s2], $0x1, s3, s25, $0xb8;
	[tilespmem:$0x1E080] =	vst v63  }
0x53: {  	s31 =	simm.s32 $0x18E40  }
0x54: {  	[tilespmem:s23], [sflag:$0x3] =	stream.indirect.gather [spmem:s2], $0x1, s31, s25, $0xb8;
	[tilespmem:$0x1E080] =	vst v63  }
0x55: {  	s3 =	rddreg [dreg:$0xa]  }
0x56: {  	[tilespmem:s7], [sflag:$0x2] =	stream.linear.gather [hbm4b:s3+s30], $0x7D0, $0x38;
	[tilespmem:$0x1E080] =	vst v63  }
0x57: {  	s22 =	rddreg [dreg:$0xb]  }
0x58: {  	[tilespmem:s8], [sflag:$0x2] =	stream.linear.gather [hbm4b:s22+s30], $0x7D0, $0x38;
	[tilespmem:$0x1E080] =	vst v63  }
0x59: {  	s31 =	rddreg [dreg:$0xc]  }
0x5a: {  	[tilespmem:s9], [sflag:$0x2] =	stream.linear.gather [hbm4b:s31+s30], $0x7D0, $0x38;
	[tilespmem:$0x1E080] =	vst v63  }
.LBB2_4:
0x5b: {  	_ =	swait.ge [sflag:s10], $0x190  }
0x5c: {  	[sflag:s10] =	ssyncset.done $0x0  }
0x5d: {  	[sflag:s10] =	ssyncadd.s32 $0xFFFFFE70  }
0x5e: {  	_ =	swait.ge [sflag:s10], $0x190  }
0x5f: {  	[sflag:s10] =	ssyncset.done $0x0  }
0x60: {  	[sflag:s10] =	ssyncadd.s32 $0xFFFFFE70  }
0x61: {  	_ =	swait.ge [sflag:s10], $0x190  }
0x62: {  	[sflag:s10] =	ssyncset.done $0x0  }
0x63: {  	[sflag:s10] =	ssyncadd.s32 $0xFFFFFE70  }
0x64: {  	_ =	swait.ge [sflag:s10], $0x190  }
0x65: {  	[sflag:s10] =	ssyncset.done $0x0  }
0x66: {  	[sflag:s10] =	ssyncadd.s32 $0xFFFFFE70  }
0x67: {  	_ =	swait.ge [sflag:s10], $0x190  }
0x68: {  	[sflag:s10] =	ssyncset.done $0x0  }
0x69: {  	s31 =	simm.s32 $0x1B840;
	[sflag:s10] =	ssyncadd.s32 $0xFFFFFE70  }
0x6a: {  	s22 =	simm.s32 $0x19840;
	v1 =	vld [tilespmem:s31+$0xFFFFFFC0]  }
0x6b: {  	s0 =	simm.s32 $0x1A840;
	v2 =	vld [tilespmem:s22+$0xFFFFFFC0]  }
0x6c: {  	v3 =	vld [tilespmem:s0+$0xFFFFFFC0];
	_ =	sdelay $0x2  }
0x6d: {  	v1 =	vmax.f32 v1, $0.0e+00  }
0x6e: {  	v1 =	vmin.f32 v1, $1.000000000e+01  }
0x6f: {  	v1 =	vmul.f32 v1, v3;
	_ =	sdelay $0x1  }
0x70: {  	[tilespmem:v2+s4+$0x0] =	vst.idx.add.f32.msk $0xffff, v1  }
0x71: {  	v1 =	vld [tilespmem:s31+$0xFFFFFFD0]  }
0x72: {  	v2 =	vld [tilespmem:s22+$0xFFFFFFD0]  }
0x73: {  	v3 =	vld [tilespmem:s0+$0xFFFFFFD0];
	_ =	sdelay $0x2  }
0x74: {  	v1 =	vmax.f32 v1, $0.0e+00  }
0x75: {  	v1 =	vmin.f32 v1, $1.000000000e+01  }
0x76: {  	v1 =	vmul.f32 v1, v3;
	_ =	sdelay $0x1  }
0x77: {  	[tilespmem:v2+s4+$0x0] =	vst.idx.add.f32.msk $0xffff, v1  }
0x78: {  	v1 =	vld [tilespmem:s31+$0xFFFFFFE0]  }
0x79: {  	v2 =	vld [tilespmem:s22+$0xFFFFFFE0]  }
0x7a: {  	v3 =	vld [tilespmem:s0+$0xFFFFFFE0];
	_ =	sdelay $0x2  }
0x7b: {  	v1 =	vmax.f32 v1, $0.0e+00  }
0x7c: {  	v1 =	vmin.f32 v1, $1.000000000e+01  }
0x7d: {  	v1 =	vmul.f32 v1, v3;
	_ =	sdelay $0x1  }
0x7e: {  	[tilespmem:v2+s4+$0x0] =	vst.idx.add.f32.msk $0xffff, v1  }
0x7f: {  	v1 =	vld [tilespmem:s31+$0xFFFFFFF0]  }
0x80: {  	v2 =	vld [tilespmem:s22+$0xFFFFFFF0]  }
0x81: {  	v3 =	vld [tilespmem:s0+$0xFFFFFFF0];
	_ =	sdelay $0x2  }
0x82: {  	v1 =	vmax.f32 v1, $0.0e+00  }
0x83: {  	v1 =	vmin.f32 v1, $1.000000000e+01  }
0x84: {  	v1 =	vmul.f32 v1, v3;
	_ =	sdelay $0x1  }
0x85: {  	[tilespmem:v2+s4+$0x0] =	vst.idx.add.f32.msk $0xffff, v1  }
0x86: {  	v1 =	vld [tilespmem:s31+$0x0]  }
0x87: {  	v2 =	vld [tilespmem:s22+$0x0]  }
0x88: {  	v3 =	vld [tilespmem:s0+$0x0];
	_ =	sdelay $0x2  }
0x89: {  	v1 =	vmax.f32 v1, $0.0e+00  }
0x8a: {  	v1 =	vmin.f32 v1, $1.000000000e+01  }
0x8b: {  	v1 =	vmul.f32 v1, v3;
	_ =	sdelay $0x1  }
0x8c: {  	[tilespmem:v2+s4+$0x0] =	vst.idx.add.f32.msk $0xffff, v1  }
0x8d: {  	v1 =	vld [tilespmem:s31+$0x10]  }
0x8e: {  	v2 =	vld [tilespmem:s22+$0x10]  }
0x8f: {  	v3 =	vld [tilespmem:s0+$0x10];
	_ =	sdelay $0x2  }
0x90: {  	v1 =	vmax.f32 v1, $0.0e+00  }
0x91: {  	v1 =	vmin.f32 v1, $1.000000000e+01  }
0x92: {  	v1 =	vmul.f32 v1, v3;
	_ =	sdelay $0x1  }
0x93: {  	[tilespmem:v2+s4+$0x0] =	vst.idx.add.f32.msk $0xffff, v1  }
0x94: {  	v1 =	vld [tilespmem:s31+$0x20]  }
0x95: {  	v2 =	vld [tilespmem:s22+$0x20]  }
0x96: {  	v3 =	vld [tilespmem:s0+$0x20];
	_ =	sdelay $0x2  }
0x97: {  	v1 =	vmax.f32 v1, $0.0e+00  }
0x98: {  	v1 =	vmin.f32 v1, $1.000000000e+01  }
0x99: {  	v1 =	vmul.f32 v1, v3;
	_ =	sdelay $0x1  }
0x9a: {  	[tilespmem:v2+s4+$0x0] =	vst.idx.add.f32.msk $0xffff, v1  }
0x9b: {  	v1 =	vld [tilespmem:s31+$0x30];
	_ =	sdelay $0x4  }
0x9c: {  	v1 =	vmax.f32 v1, $0.0e+00  }
0x9d: {  	v3 =	vmin.f32 v1, $1.000000000e+01;
	v1 =	vld [tilespmem:s22+$0x30]  }
0x9e: {  	v2 =	vld [tilespmem:s0+$0x30];
	_ =	sdelay $0x4  }
0x9f: {  	v2 =	vmul.f32 v3, v2  }
0xa0: {  	s3 =	simm.s32 $0x0;
	s22 =	simm.s32 $0x198C0  }
.LBB2_5:
0xa1: {  	s3 =	sadd.s32 $0x8, s3;
	[tilespmem:v1+s4+$0x0] =	vst.idx.add.f32.msk $0xffff, v2;
	s31 =	sadd.s32 $0x80, s31;
	s0 =	sadd.s32 $0x80, s0  }
0xa2: {  	v1 =	vld [tilespmem:s31+$0xFFFFFFC0];
	p0 =	slt.u32 s3, $0x70  }
0xa3: {  	v2 =	vld [tilespmem:s22+$0xFFFFFFC0]  }
0xa4: {  	v3 =	vld [tilespmem:s0+$0xFFFFFFC0];
	_ =	sdelay $0x2  }
0xa5: {  	v1 =	vmax.f32 v1, $0.0e+00  }
0xa6: {  	v1 =	vmin.f32 v1, $1.000000000e+01  }
0xa7: {  	v1 =	vmul.f32 v1, v3;
	_ =	sdelay $0x1  }
0xa8: {  	[tilespmem:v2+s4+$0x0] =	vst.idx.add.f32.msk $0xffff, v1  }
0xa9: {  	v1 =	vld [tilespmem:s31+$0xFFFFFFD0]  }
0xaa: {  	v2 =	vld [tilespmem:s22+$0xFFFFFFD0]  }
0xab: {  	v3 =	vld [tilespmem:s0+$0xFFFFFFD0];
	_ =	sdelay $0x2  }
0xac: {  	v1 =	vmax.f32 v1, $0.0e+00  }
0xad: {  	v1 =	vmin.f32 v1, $1.000000000e+01  }
0xae: {  	v1 =	vmul.f32 v1, v3;
	_ =	sdelay $0x1  }
0xaf: {  	[tilespmem:v2+s4+$0x0] =	vst.idx.add.f32.msk $0xffff, v1  }
0xb0: {  	v1 =	vld [tilespmem:s31+$0xFFFFFFE0]  }
0xb1: {  	v2 =	vld [tilespmem:s22+$0xFFFFFFE0]  }
0xb2: {  	v3 =	vld [tilespmem:s0+$0xFFFFFFE0];
	_ =	sdelay $0x2  }
0xb3: {  	v1 =	vmax.f32 v1, $0.0e+00  }
0xb4: {  	v1 =	vmin.f32 v1, $1.000000000e+01  }
0xb5: {  	v1 =	vmul.f32 v1, v3;
	_ =	sdelay $0x1  }
0xb6: {  	[tilespmem:v2+s4+$0x0] =	vst.idx.add.f32.msk $0xffff, v1  }
0xb7: {  	v1 =	vld [tilespmem:s31+$0xFFFFFFF0]  }
0xb8: {  	v2 =	vld [tilespmem:s22+$0xFFFFFFF0]  }
0xb9: {  	v3 =	vld [tilespmem:s0+$0xFFFFFFF0];
	_ =	sdelay $0x2  }
0xba: {  	v1 =	vmax.f32 v1, $0.0e+00  }
0xbb: {  	v1 =	vmin.f32 v1, $1.000000000e+01  }
0xbc: {  	v1 =	vmul.f32 v1, v3;
	_ =	sdelay $0x1  }
0xbd: {  	[tilespmem:v2+s4+$0x0] =	vst.idx.add.f32.msk $0xffff, v1  }
0xbe: {  	v1 =	vld [tilespmem:s31+$0x0]  }
0xbf: {  	v2 =	vld [tilespmem:s22+$0x0]  }
0xc0: {  	v3 =	vld [tilespmem:s0+$0x0];
	_ =	sdelay $0x2  }
0xc1: {  	v1 =	vmax.f32 v1, $0.0e+00  }
0xc2: {  	v1 =	vmin.f32 v1, $1.000000000e+01  }
0xc3: {  	v1 =	vmul.f32 v1, v3;
	_ =	sdelay $0x1  }
0xc4: {  	[tilespmem:v2+s4+$0x0] =	vst.idx.add.f32.msk $0xffff, v1  }
0xc5: {  	v1 =	vld [tilespmem:s31+$0x10]  }
0xc6: {  	v2 =	vld [tilespmem:s22+$0x10]  }
0xc7: {  	v3 =	vld [tilespmem:s0+$0x10];
	_ =	sdelay $0x2  }
0xc8: {  	v1 =	vmax.f32 v1, $0.0e+00  }
0xc9: {  	v1 =	vmin.f32 v1, $1.000000000e+01  }
0xca: {  	v1 =	vmul.f32 v1, v3;
	_ =	sdelay $0x1  }
0xcb: {  	[tilespmem:v2+s4+$0x0] =	vst.idx.add.f32.msk $0xffff, v1  }
0xcc: {  	v1 =	vld [tilespmem:s31+$0x20]  }
0xcd: {  	v2 =	vld [tilespmem:s22+$0x20]  }
0xce: {  	v3 =	vld [tilespmem:s0+$0x20];
	_ =	sdelay $0x2  }
0xcf: {  	v1 =	vmax.f32 v1, $0.0e+00  }
0xd0: {  	v1 =	vmin.f32 v1, $1.000000000e+01  }
0xd1: {  	v1 =	vmul.f32 v1, v3;
	_ =	sdelay $0x1  }
0xd2: {  	[tilespmem:v2+s4+$0x0] =	vst.idx.add.f32.msk $0xffff, v1  }
0xd3: {  	v2 =	vld [tilespmem:s31+$0x30]  }
0xd4: {  	v1 =	vld [tilespmem:s22+$0x30]  }
0xd5: {  	v3 =	vld [tilespmem:s0+$0x30];
	_ =	sdelay $0x1  }
.Ltmp3:
0xd6: {  	(pc) =	sbr.rel @p0 .LBB2_5-.Ltmp3, $4  }
0xd7: {  	v2 =	vmax.f32 v2, $0.0e+00  }
0xd8: {  	v2 =	vmin.f32 v2, $1.000000000e+01  }
0xd9: {  	v2 =	vmul.f32 v2, v3  }
0xda: {  	s22 =	sadd.s32 $0x80, s22  }
0xdb: {  	_ =	sdelay $0x3  }
0xdc: {  	[tilespmem:v1+s4+$0x0] =	vst.idx.add.f32.msk $0xffff, v2  }
0xdd: {  	v1 =	vld [tilespmem:$0x1BF80]  }
0xde: {  	v2 =	vld [tilespmem:$0x19F80]  }
0xdf: {  	v3 =	vld [tilespmem:$0x1AF80];
	_ =	sdelay $0x2  }
0xe0: {  	v1 =	vmax.f32 v1, $0.0e+00  }
0xe1: {  	v1 =	vmin.f32 v1, $1.000000000e+01  }
0xe2: {  	v1 =	vmul.f32 v1, v3;
	_ =	sdelay $0x1  }
0xe3: {  	[tilespmem:v2+s4+$0x0] =	vst.idx.add.f32.msk $0xffff, v1  }
0xe4: {  	v1 =	vld [tilespmem:$0x1BF90]  }
0xe5: {  	v2 =	vld [tilespmem:$0x19F90]  }
0xe6: {  	v3 =	vld [tilespmem:$0x1AF90];
	_ =	sdelay $0x2  }
0xe7: {  	v1 =	vmax.f32 v1, $0.0e+00  }
0xe8: {  	v1 =	vmin.f32 v1, $1.000000000e+01  }
0xe9: {  	v1 =	vmul.f32 v1, v3;
	_ =	sdelay $0x1  }
0xea: {  	[tilespmem:v2+s4+$0x0] =	vst.idx.add.f32.msk $0xffff, v1  }
0xeb: {  	v1 =	vld [tilespmem:$0x1BFA0]  }
0xec: {  	v2 =	vld [tilespmem:$0x19FA0]  }
0xed: {  	v3 =	vld [tilespmem:$0x1AFA0];
	_ =	sdelay $0x2  }
0xee: {  	v1 =	vmax.f32 v1, $0.0e+00  }
0xef: {  	v1 =	vmin.f32 v1, $1.000000000e+01  }
0xf0: {  	v1 =	vmul.f32 v1, v3;
	_ =	sdelay $0x1  }
0xf1: {  	[tilespmem:v2+s4+$0x0] =	vst.idx.add.f32.msk $0xffff, v1  }
0xf2: {  	v1 =	vld [tilespmem:$0x1BFB0]  }
0xf3: {  	v2 =	vld [tilespmem:$0x19FB0]  }
0xf4: {  	v3 =	vld [tilespmem:$0x1AFB0];
	_ =	sdelay $0x2  }
0xf5: {  	v1 =	vmax.f32 v1, $0.0e+00  }
0xf6: {  	v1 =	vmin.f32 v1, $1.000000000e+01  }
0xf7: {  	v1 =	vmul.f32 v1, v3;
	_ =	sdelay $0x1  }
0xf8: {  	[tilespmem:v2+s4+$0x0] =	vst.idx.add.f32.msk $0xffff, v1  }
0xf9: {  	v1 =	vld [tilespmem:$0x1BFC0]  }
0xfa: {  	v2 =	vld [tilespmem:$0x19FC0]  }
0xfb: {  	v3 =	vld [tilespmem:$0x1AFC0];
	_ =	sdelay $0x2  }
0xfc: {  	v1 =	vmax.f32 v1, $0.0e+00  }
0xfd: {  	v1 =	vmin.f32 v1, $1.000000000e+01  }
0xfe: {  	v1 =	vmul.f32 v1, v3;
	_ =	sdelay $0x1  }
0xff: {  	[tilespmem:v2+s4+$0x0] =	vst.idx.add.f32.msk $0xffff, v1  }
0x100: {  	_ =	swait.ge [sflag:s11], $0x7D0  }
0x101: {  	[sflag:s11] =	ssyncset.done $0x0  }
0x102: {  	[sflag:s11] =	ssyncadd.s32 $0xFFFFF830  }
0x103: {  	_ =	swait.ge [sflag:s11], $0x7D0  }
0x104: {  	[sflag:s11] =	ssyncset.done $0x0  }
0x105: {  	[sflag:s11] =	ssyncadd.s32 $0xFFFFF830  }
0x106: {  	_ =	swait.ge [sflag:s11], $0x7D0  }
0x107: {  	[sflag:s11] =	ssyncset.done $0x0  }
0x108: {  	[sflag:s11] =	ssyncadd.s32 $0xFFFFF830  }
0x109: {  	[tilespmem:s12], [sflag:$0x4] =	stream.indirect.gather [spmem:s2], $0x1, s7, s25, $0xb8;
	[tilespmem:$0x1E080] =	vst v63  }
0x10a: {  	p0 =	seq.s32 s30, $0x31  }
0x10b: {  	[tilespmem:s14], [sflag:$0x4] =	stream.indirect.gather [spmem:s2], $0x1, s13, s25, $0xb8;
	[tilespmem:$0x1E080] =	vst v63  }
0x10c: {  	s0 =	smul.u32 @!p0 $0xFA0, s30  }
0x10d: {  	[tilespmem:s18], [sflag:$0x4] =	stream.indirect.gather [spmem:s2], $0x1, s17, s25, $0xb8;
	[tilespmem:$0x1E080] =	vst v63  }
0x10e: {  	s0 =	sadd.s32 @!p0 s0, s15  }
0x10f: {  	[tilespmem:s20], [sflag:$0x4] =	stream.indirect.gather [spmem:s2], $0x1, s19, s25, $0xb8;
	[tilespmem:$0x1E080] =	vst v63  }
0x110: {  	s0 =	sshrl.u32 @!p0 s0, $0x3  }
0x111: {  	[tilespmem:s28], [sflag:$0x4] =	stream.indirect.gather [spmem:s2], $0x1, s26, s25, $0xb8;
	[tilespmem:$0x1E080] =	vst v63  }
0x112: {  	s22 =	simm.s32 @!p0 $0x0;
	s31 =	simm.s32 @!p0 $0x18800;
	s3 =	sadd.s32 @!p0 s5, s0  }
0x113: {  	[tilespmem:s31], [sflag:$0x1] =	stream.linear.gather @!p0 [hbm4b:s3+s22], $0x7D0, $0x38;
	[tilespmem:$0x1E080] =	vst v63  }
0x114: {  	s3 =	sadd.s32 @!p0 s6, s0;
	s31 =	simm.s32 @!p0 $0x19800  }
0x115: {  	[tilespmem:s31], [sflag:$0x1] =	stream.linear.gather @!p0 [hbm4b:s3+s22], $0x7D0, $0x38;
	[tilespmem:$0x1E080] =	vst v63  }
0x116: {  	s0 =	sadd.s32 @!p0 s1, s0;
	s3 =	simm.s32 @!p0 $0x1A800  }
0x117: {  	[tilespmem:s3], [sflag:$0x1] =	stream.linear.gather @!p0 [hbm4b:s0+s22], $0x7D0, $0x38;
	[tilespmem:$0x1E080] =	vst v63  }
0x118: {  	_ =	swait.ge [sflag:s29], $0x190  }
0x119: {  	[sflag:s29] =	ssyncset.done $0x0  }
0x11a: {  	[sflag:s29] =	ssyncadd.s32 $0xFFFFFE70  }
0x11b: {  	_ =	swait.ge [sflag:s29], $0x190  }
0x11c: {  	[sflag:s29] =	ssyncset.done $0x0  }
0x11d: {  	[sflag:s29] =	ssyncadd.s32 $0xFFFFFE70  }
0x11e: {  	_ =	swait.ge [sflag:s29], $0x190  }
0x11f: {  	[sflag:s29] =	ssyncset.done $0x0  }
0x120: {  	[sflag:s29] =	ssyncadd.s32 $0xFFFFFE70  }
0x121: {  	_ =	swait.ge [sflag:s29], $0x190  }
0x122: {  	[sflag:s29] =	ssyncset.done $0x0  }
0x123: {  	[sflag:s29] =	ssyncadd.s32 $0xFFFFFE70  }
0x124: {  	_ =	swait.ge [sflag:s29], $0x190  }
0x125: {  	[sflag:s29] =	ssyncset.done $0x0  }
0x126: {  	s31 =	simm.s32 $0x1C040;
	[sflag:s29] =	ssyncadd.s32 $0xFFFFFE70  }
0x127: {  	s22 =	simm.s32 $0x1A040;
	v1 =	vld [tilespmem:s31+$0xFFFFFFC0]  }
0x128: {  	s0 =	simm.s32 $0x1B040;
	v2 =	vld [tilespmem:s22+$0xFFFFFFC0]  }
0x129: {  	v3 =	vld [tilespmem:s0+$0xFFFFFFC0];
	_ =	sdelay $0x2  }
0x12a: {  	v1 =	vmax.f32 v1, $0.0e+00  }
0x12b: {  	v1 =	vmin.f32 v1, $1.000000000e+01  }
0x12c: {  	v1 =	vmul.f32 v1, v3;
	_ =	sdelay $0x1  }
0x12d: {  	[tilespmem:v2+s4+$0x0] =	vst.idx.add.f32.msk $0xffff, v1  }
0x12e: {  	v1 =	vld [tilespmem:s31+$0xFFFFFFD0]  }
0x12f: {  	v2 =	vld [tilespmem:s22+$0xFFFFFFD0]  }
0x130: {  	v3 =	vld [tilespmem:s0+$0xFFFFFFD0];
	_ =	sdelay $0x2  }
0x131: {  	v1 =	vmax.f32 v1, $0.0e+00  }
0x132: {  	v1 =	vmin.f32 v1, $1.000000000e+01  }
0x133: {  	v1 =	vmul.f32 v1, v3;
	_ =	sdelay $0x1  }
0x134: {  	[tilespmem:v2+s4+$0x0] =	vst.idx.add.f32.msk $0xffff, v1  }
0x135: {  	v1 =	vld [tilespmem:s31+$0xFFFFFFE0]  }
0x136: {  	v2 =	vld [tilespmem:s22+$0xFFFFFFE0]  }
0x137: {  	v3 =	vld [tilespmem:s0+$0xFFFFFFE0];
	_ =	sdelay $0x2  }
0x138: {  	v1 =	vmax.f32 v1, $0.0e+00  }
0x139: {  	v1 =	vmin.f32 v1, $1.000000000e+01  }
0x13a: {  	v1 =	vmul.f32 v1, v3;
	_ =	sdelay $0x1  }
0x13b: {  	[tilespmem:v2+s4+$0x0] =	vst.idx.add.f32.msk $0xffff, v1  }
0x13c: {  	v1 =	vld [tilespmem:s31+$0xFFFFFFF0]  }
0x13d: {  	v2 =	vld [tilespmem:s22+$0xFFFFFFF0]  }
0x13e: {  	v3 =	vld [tilespmem:s0+$0xFFFFFFF0];
	_ =	sdelay $0x2  }
0x13f: {  	v1 =	vmax.f32 v1, $0.0e+00  }
0x140: {  	v1 =	vmin.f32 v1, $1.000000000e+01  }
0x141: {  	v1 =	vmul.f32 v1, v3;
	_ =	sdelay $0x1  }
0x142: {  	[tilespmem:v2+s4+$0x0] =	vst.idx.add.f32.msk $0xffff, v1  }
0x143: {  	v1 =	vld [tilespmem:s31+$0x0]  }
0x144: {  	v2 =	vld [tilespmem:s22+$0x0]  }
0x145: {  	v3 =	vld [tilespmem:s0+$0x0];
	_ =	sdelay $0x2  }
0x146: {  	v1 =	vmax.f32 v1, $0.0e+00  }
0x147: {  	v1 =	vmin.f32 v1, $1.000000000e+01  }
0x148: {  	v1 =	vmul.f32 v1, v3;
	_ =	sdelay $0x1  }
0x149: {  	[tilespmem:v2+s4+$0x0] =	vst.idx.add.f32.msk $0xffff, v1  }
0x14a: {  	v1 =	vld [tilespmem:s31+$0x10]  }
0x14b: {  	v2 =	vld [tilespmem:s22+$0x10]  }
0x14c: {  	v3 =	vld [tilespmem:s0+$0x10];
	_ =	sdelay $0x2  }
0x14d: {  	v1 =	vmax.f32 v1, $0.0e+00  }
0x14e: {  	v1 =	vmin.f32 v1, $1.000000000e+01  }
0x14f: {  	v1 =	vmul.f32 v1, v3;
	_ =	sdelay $0x1  }
0x150: {  	[tilespmem:v2+s4+$0x0] =	vst.idx.add.f32.msk $0xffff, v1  }
0x151: {  	v1 =	vld [tilespmem:s31+$0x20]  }
0x152: {  	v2 =	vld [tilespmem:s22+$0x20]  }
0x153: {  	v3 =	vld [tilespmem:s0+$0x20];
	_ =	sdelay $0x2  }
0x154: {  	v1 =	vmax.f32 v1, $0.0e+00  }
0x155: {  	v1 =	vmin.f32 v1, $1.000000000e+01  }
0x156: {  	v1 =	vmul.f32 v1, v3;
	_ =	sdelay $0x1  }
0x157: {  	[tilespmem:v2+s4+$0x0] =	vst.idx.add.f32.msk $0xffff, v1  }
0x158: {  	v1 =	vld [tilespmem:s31+$0x30];
	_ =	sdelay $0x4  }
0x159: {  	v1 =	vmax.f32 v1, $0.0e+00  }
0x15a: {  	v3 =	vmin.f32 v1, $1.000000000e+01;
	v1 =	vld [tilespmem:s22+$0x30]  }
0x15b: {  	v2 =	vld [tilespmem:s0+$0x30];
	_ =	sdelay $0x4  }
0x15c: {  	v2 =	vmul.f32 v3, v2  }
0x15d: {  	s3 =	simm.s32 $0x0;
	s22 =	simm.s32 $0x1A0C0  }
.LBB2_7:
0x15e: {  	s3 =	sadd.s32 $0x8, s3;
	[tilespmem:v1+s4+$0x0] =	vst.idx.add.f32.msk $0xffff, v2;
	s31 =	sadd.s32 $0x80, s31;
	s0 =	sadd.s32 $0x80, s0  }
0x15f: {  	v1 =	vld [tilespmem:s31+$0xFFFFFFC0];
	p1 =	slt.u32 s3, $0x70  }
0x160: {  	v2 =	vld [tilespmem:s22+$0xFFFFFFC0]  }
0x161: {  	v3 =	vld [tilespmem:s0+$0xFFFFFFC0];
	_ =	sdelay $0x2  }
0x162: {  	v1 =	vmax.f32 v1, $0.0e+00  }
0x163: {  	v1 =	vmin.f32 v1, $1.000000000e+01  }
0x164: {  	v1 =	vmul.f32 v1, v3;
	_ =	sdelay $0x1  }
0x165: {  	[tilespmem:v2+s4+$0x0] =	vst.idx.add.f32.msk $0xffff, v1  }
0x166: {  	v1 =	vld [tilespmem:s31+$0xFFFFFFD0]  }
0x167: {  	v2 =	vld [tilespmem:s22+$0xFFFFFFD0]  }
0x168: {  	v3 =	vld [tilespmem:s0+$0xFFFFFFD0];
	_ =	sdelay $0x2  }
0x169: {  	v1 =	vmax.f32 v1, $0.0e+00  }
0x16a: {  	v1 =	vmin.f32 v1, $1.000000000e+01  }
0x16b: {  	v1 =	vmul.f32 v1, v3;
	_ =	sdelay $0x1  }
0x16c: {  	[tilespmem:v2+s4+$0x0] =	vst.idx.add.f32.msk $0xffff, v1  }
0x16d: {  	v1 =	vld [tilespmem:s31+$0xFFFFFFE0]  }
0x16e: {  	v2 =	vld [tilespmem:s22+$0xFFFFFFE0]  }
0x16f: {  	v3 =	vld [tilespmem:s0+$0xFFFFFFE0];
	_ =	sdelay $0x2  }
0x170: {  	v1 =	vmax.f32 v1, $0.0e+00  }
0x171: {  	v1 =	vmin.f32 v1, $1.000000000e+01  }
0x172: {  	v1 =	vmul.f32 v1, v3;
	_ =	sdelay $0x1  }
0x173: {  	[tilespmem:v2+s4+$0x0] =	vst.idx.add.f32.msk $0xffff, v1  }
0x174: {  	v1 =	vld [tilespmem:s31+$0xFFFFFFF0]  }
0x175: {  	v2 =	vld [tilespmem:s22+$0xFFFFFFF0]  }
0x176: {  	v3 =	vld [tilespmem:s0+$0xFFFFFFF0];
	_ =	sdelay $0x2  }
0x177: {  	v1 =	vmax.f32 v1, $0.0e+00  }
0x178: {  	v1 =	vmin.f32 v1, $1.000000000e+01  }
0x179: {  	v1 =	vmul.f32 v1, v3;
	_ =	sdelay $0x1  }
0x17a: {  	[tilespmem:v2+s4+$0x0] =	vst.idx.add.f32.msk $0xffff, v1  }
0x17b: {  	v1 =	vld [tilespmem:s31+$0x0]  }
0x17c: {  	v2 =	vld [tilespmem:s22+$0x0]  }
0x17d: {  	v3 =	vld [tilespmem:s0+$0x0];
	_ =	sdelay $0x2  }
0x17e: {  	v1 =	vmax.f32 v1, $0.0e+00  }
0x17f: {  	v1 =	vmin.f32 v1, $1.000000000e+01  }
0x180: {  	v1 =	vmul.f32 v1, v3;
	_ =	sdelay $0x1  }
0x181: {  	[tilespmem:v2+s4+$0x0] =	vst.idx.add.f32.msk $0xffff, v1  }
0x182: {  	v1 =	vld [tilespmem:s31+$0x10]  }
0x183: {  	v2 =	vld [tilespmem:s22+$0x10]  }
0x184: {  	v3 =	vld [tilespmem:s0+$0x10];
	_ =	sdelay $0x2  }
0x185: {  	v1 =	vmax.f32 v1, $0.0e+00  }
0x186: {  	v1 =	vmin.f32 v1, $1.000000000e+01  }
0x187: {  	v1 =	vmul.f32 v1, v3;
	_ =	sdelay $0x1  }
0x188: {  	[tilespmem:v2+s4+$0x0] =	vst.idx.add.f32.msk $0xffff, v1  }
0x189: {  	v1 =	vld [tilespmem:s31+$0x20]  }
0x18a: {  	v2 =	vld [tilespmem:s22+$0x20]  }
0x18b: {  	v3 =	vld [tilespmem:s0+$0x20];
	_ =	sdelay $0x2  }
0x18c: {  	v1 =	vmax.f32 v1, $0.0e+00  }
0x18d: {  	v1 =	vmin.f32 v1, $1.000000000e+01  }
0x18e: {  	v1 =	vmul.f32 v1, v3;
	_ =	sdelay $0x1  }
0x18f: {  	[tilespmem:v2+s4+$0x0] =	vst.idx.add.f32.msk $0xffff, v1  }
0x190: {  	v2 =	vld [tilespmem:s31+$0x30]  }
0x191: {  	v1 =	vld [tilespmem:s22+$0x30]  }
0x192: {  	v3 =	vld [tilespmem:s0+$0x30];
	_ =	sdelay $0x1  }
.Ltmp4:
0x193: {  	(pc) =	sbr.rel @p1 .LBB2_7-.Ltmp4, $4  }
0x194: {  	v2 =	vmax.f32 v2, $0.0e+00  }
0x195: {  	v2 =	vmin.f32 v2, $1.000000000e+01  }
0x196: {  	v2 =	vmul.f32 v2, v3  }
0x197: {  	s22 =	sadd.s32 $0x80, s22  }
0x198: {  	_ =	sdelay $0x3  }
0x199: {  	[tilespmem:v1+s4+$0x0] =	vst.idx.add.f32.msk $0xffff, v2  }
0x19a: {  	v1 =	vld [tilespmem:$0x1C780]  }
0x19b: {  	v2 =	vld [tilespmem:$0x1A780]  }
0x19c: {  	v3 =	vld [tilespmem:$0x1B780];
	_ =	sdelay $0x2  }
0x19d: {  	v1 =	vmax.f32 v1, $0.0e+00  }
0x19e: {  	v1 =	vmin.f32 v1, $1.000000000e+01  }
0x19f: {  	v1 =	vmul.f32 v1, v3;
	_ =	sdelay $0x1  }
0x1a0: {  	[tilespmem:v2+s4+$0x0] =	vst.idx.add.f32.msk $0xffff, v1  }
0x1a1: {  	v1 =	vld [tilespmem:$0x1C790]  }
0x1a2: {  	v2 =	vld [tilespmem:$0x1A790]  }
0x1a3: {  	v3 =	vld [tilespmem:$0x1B790];
	_ =	sdelay $0x2  }
0x1a4: {  	v1 =	vmax.f32 v1, $0.0e+00  }
0x1a5: {  	v1 =	vmin.f32 v1, $1.000000000e+01  }
0x1a6: {  	v1 =	vmul.f32 v1, v3;
	_ =	sdelay $0x1  }
0x1a7: {  	[tilespmem:v2+s4+$0x0] =	vst.idx.add.f32.msk $0xffff, v1  }
0x1a8: {  	v1 =	vld [tilespmem:$0x1C7A0]  }
0x1a9: {  	v2 =	vld [tilespmem:$0x1A7A0]  }
0x1aa: {  	v3 =	vld [tilespmem:$0x1B7A0];
	_ =	sdelay $0x2  }
0x1ab: {  	v1 =	vmax.f32 v1, $0.0e+00  }
0x1ac: {  	v1 =	vmin.f32 v1, $1.000000000e+01  }
0x1ad: {  	v1 =	vmul.f32 v1, v3;
	_ =	sdelay $0x1  }
0x1ae: {  	[tilespmem:v2+s4+$0x0] =	vst.idx.add.f32.msk $0xffff, v1  }
0x1af: {  	v1 =	vld [tilespmem:$0x1C7B0]  }
0x1b0: {  	v2 =	vld [tilespmem:$0x1A7B0]  }
0x1b1: {  	v3 =	vld [tilespmem:$0x1B7B0];
	_ =	sdelay $0x2  }
0x1b2: {  	v1 =	vmax.f32 v1, $0.0e+00  }
0x1b3: {  	v1 =	vmin.f32 v1, $1.000000000e+01  }
0x1b4: {  	v1 =	vmul.f32 v1, v3;
	_ =	sdelay $0x1  }
0x1b5: {  	[tilespmem:v2+s4+$0x0] =	vst.idx.add.f32.msk $0xffff, v1  }
0x1b6: {  	v1 =	vld [tilespmem:$0x1C7C0]  }
0x1b7: {  	v2 =	vld [tilespmem:$0x1A7C0]  }
0x1b8: {  	v3 =	vld [tilespmem:$0x1B7C0];
	_ =	sdelay $0x2  }
.Ltmp5:
0x1b9: {  	v1 =	vmax.f32 v1, $0.0e+00;
	(pc) =	sbr.rel @p0 .LBB2_10-.Ltmp5, $3  }
0x1ba: {  	v1 =	vmin.f32 v1, $1.000000000e+01  }
0x1bb: {  	v1 =	vmul.f32 v1, v3;
	_ =	sdelay $0x1  }
0x1bc: {  	[tilespmem:v2+s4+$0x0] =	vst.idx.add.f32.msk $0xffff, v1  }
0x1bd: {  	_ =	swait.ge [sflag:s24], $0x7D0  }
0x1be: {  	[sflag:s24] =	ssyncset.done $0x0  }
0x1bf: {  	[sflag:s24] =	ssyncadd.s32 $0xFFFFF830  }
0x1c0: {  	_ =	swait.ge [sflag:s24], $0x7D0  }
0x1c1: {  	[sflag:s24] =	ssyncset.done $0x0  }
0x1c2: {  	[sflag:s24] =	ssyncadd.s32 $0xFFFFF830  }
0x1c3: {  	_ =	swait.ge [sflag:s24], $0x7D0  }
0x1c4: {  	[sflag:s24] =	ssyncset.done $0x0  }
0x1c5: {  	s0 =	simm.s32 $0x1B800;
	[sflag:s24] =	ssyncadd.s32 $0xFFFFF830  }
0x1c6: {  	[tilespmem:s0], [sflag:$0x3] =	stream.indirect.gather [spmem:s2], $0x1, s21, s25, $0xb8;
	[tilespmem:$0x1E080] =	vst v63  }
0x1c7: {  	s31 =	simm.s32 $0x18990;
	s3 =	simm.s32 $0x1B990  }
0x1c8: {  	[tilespmem:s3], [sflag:$0x3] =	stream.indirect.gather [spmem:s2], $0x1, s31, s25, $0xb8;
	[tilespmem:$0x1E080] =	vst v63  }
0x1c9: {  	s22 =	simm.s32 $0x18B20;
	s31 =	simm.s32 $0x1BB20  }
0x1ca: {  	[tilespmem:s31], [sflag:$0x3] =	stream.indirect.gather [spmem:s2], $0x1, s22, s25, $0xb8;
	[tilespmem:$0x1E080] =	vst v63  }
0x1cb: {  	s22 =	simm.s32 $0x18CB0;
	s31 =	simm.s32 $0x1BCB0  }
0x1cc: {  	[tilespmem:s31], [sflag:$0x3] =	stream.indirect.gather [spmem:s2], $0x1, s22, s25, $0xb8;
	[tilespmem:$0x1E080] =	vst v63  }
0x1cd: {  	s22 =	smul.u32 $0xFA0, s30;
	s31 =	simm.s32 $0x18E40  }
0x1ce: {  	[tilespmem:s23], [sflag:$0x3] =	stream.indirect.gather [spmem:s2], $0x1, s31, s25, $0xb8;
	[tilespmem:$0x1E080] =	vst v63  }
0x1cf: {  	s0 =	sadd.s32 s22, s16  }
0x1d0: {  	s0 =	sshrl.u32 s0, $0x3  }
0x1d1: {  	s22 =	sadd.s32 s5, s0  }
0x1d2: {  	[tilespmem:s7], [sflag:$0x2] =	stream.linear.gather [hbm4b:s22+s4], $0x7D0, $0x38;
	[tilespmem:$0x1E080] =	vst v63  }
.Ltmp6:
0x1d3: {  	_ = 	snop;
	(pc) =	sbr.rel .LBB2_4-.Ltmp6, $4  }
0x1d4: {  	s31 =	sadd.s32 s6, s0  }
0x1d5: {  	[tilespmem:s8], [sflag:$0x2] =	stream.linear.gather [hbm4b:s31+s4], $0x7D0, $0x38;
	[tilespmem:$0x1E080] =	vst v63  }
0x1d6: {  	s30 =	sadd.s32 $0x1, s30;
	s0 =	sadd.s32 s1, s0  }
0x1d7: {  	[tilespmem:s9], [sflag:$0x2] =	stream.linear.gather [hbm4b:s0+s4], $0x7D0, $0x38;
	[tilespmem:$0x1E080] =	vst v63  }
.LBB2_11:
0x1d8: {  	_ =	sfence.sel $0x180000  }
0x1d9: {  	[bflag:$0x0] =	sbarrier.arrive $0xFFFF  }
0x1da: {  	_ =	strace $0x90000047  }
0x1db: {  	s0 =	stileid.u32;
	[bflag:$0x2] =	sbarrier.arrive $0xFFFF  }
0x1dc: {  	p0 =	sne.s32 s0, $0x0;
	s0 =	rddreg [dreg:$0x4]  }
0x1dd: {  	s0 =	sadd.s32 @!p0 $0x100000, s0  }
0x1de: {  	[sflag:s0] =	ssyncadd.tile.s32 @!p0 $0x1;
	_ =	shalt  }
.Lfunc_end2:
_tile_overlayer_lowered:
.L_overlay_start_2:
0x1df: {  	(tag) =	ssettag $0x2  }
0x1e0: {  	s0 =	rddreg [dreg:$0x0];
	s2 =	stileid.u32  }
0x1e1: {  	s1 =	rddreg [dreg:$0x1];
	p0 =	sne.s32 s2, $0x0  }
0x1e2: {  	s3 =	rddreg [dreg:$0x2];
	[bflag:$0x3] =	sbarrier.arrive $0xFFFF;
	s2 =	simm.s32 @!p0 $0x1C06  }
0x1e3: {  	[timem:s3], [sflag:s2] =	dma.local @!p0 [hbm:s0], s1  }
0x1e4: {  	s0 =	simm.s32 @!p0 $0x6  }
0x1e5: {  	_ =	swait.ge @!p0 [sflag:s0], s1  }
0x1e6: {  	s1 =	ssub.s32 @!p0 $0x0, s1;
	[sflag:s0] =	ssyncset.done @!p0 $0x0  }
0x1e7: {  	[sflag:s0] =	ssyncadd.s32 @!p0 s1  }
0x1e8: {  	[bflag:$0x3] =	sbarrier.arrive $0xFFFF  }
0x1e9: {  	_ =	shalt  }

</sc_bundles>
